<compile_context>
chip_gen: v7x
topology: tpu7x:2x2x1
jax: 0.10.2.dev20260603
libtpu: 0.0.44.dev20260713+nightly
codegen_flags: <defaults>
</compile_context>

<pallas_src>
import functools

import jax
import jax.numpy as jnp
from jax.experimental import pallas as pl
from jax.experimental.pallas import tpu as pltpu
from jax.experimental.pallas import tpu_sc as plsc

_B = 16384
_N = 127
_D = _N + 1
_K = 1024
_ALPHA = 0.1
_EPS = 1e-7
_BM = 8192
_BH = 512
_BMAP = 2048


def _prep_kernel(at_ref, a_ref, amt_ref, af_ref):
    at = at_ref[...]
    r0 = jax.lax.broadcasted_iota(jnp.int32, (_D, 1), 0) == 0
    ssq_t = jnp.sum(at * at, axis=0, keepdims=True)
    a0_t = jnp.sum(jnp.where(r0, at, 0.0), axis=0, keepdims=True)
    t_t = jnp.sqrt(1.0 + ssq_t - a0_t * a0_t)
    amt_ref[...] = jnp.where(r0, -t_t, at).astype(jnp.bfloat16)
    a = a_ref[...]
    c0 = jax.lax.broadcasted_iota(jnp.int32, (1, _D), 1) == 0
    ssq = jnp.sum(a * a, axis=1, keepdims=True)
    a0 = jnp.sum(jnp.where(c0, a, 0.0), axis=1, keepdims=True)
    t = jnp.sqrt(1.0 + ssq - a0 * a0)
    af_ref[...] = jnp.where(c0, t, a)


def _select_kernel(x_ref, amt_ref, idx_ref, w_ref):
    amt = amt_ref[...]
    for h in range(_BM // _BH):
        rows = slice(h * _BH, (h + 1) * _BH)
        x = x_ref[rows, :]
        inner = jnp.dot(x.astype(jnp.bfloat16), amt,
                        preferred_element_type=jnp.float32)
        ibits = jax.lax.bitcast_convert_type(inner, jnp.int32)
        lane = jax.lax.broadcasted_iota(jnp.int32, (_BH, _K), 1)
        key = jax.lax.bitwise_or(
            jax.lax.bitwise_and(ibits, jnp.int32(-1024)), lane)
        kmin = jnp.min(key, axis=1, keepdims=True)
        idx_ref[rows, :] = jax.lax.bitwise_and(kmin, jnp.int32(1023))
        maxval = jax.lax.bitcast_convert_type(
            jax.lax.bitwise_and(kmin, jnp.int32(-1024)), jnp.float32)
        w_ref[rows, :] = jnp.maximum(-maxval, 1.0 + _EPS)


def _map_kernel(x_ref, n_ref, w_ref, o_ref):
    x = x_ref[...]
    nearest = n_ref[...]
    w = w_ref[...]
    sq = jnp.sqrt(jnp.maximum(w * w - 1.0, 1e-12))
    d = jnp.log(w + sq)
    s = jnp.exp(_ALPHA * d)
    si = 1.0 / s
    coef = (0.5 * (s - si)) / sq
    coef2 = 0.5 * (s + si) - coef * w
    o_ref[...] = coef2 * x + coef * nearest


def _sc_gather(table, idx):
    info = plsc.get_sparse_core_info()
    nw = info.num_cores * info.num_subcores
    b_per_w = _B // nw
    mesh = plsc.VectorSubcoreMesh(core_axis_name="c", subcore_axis_name="s")

    @functools.partial(
        pl.kernel, mesh=mesh,
        out_type=jax.ShapeDtypeStruct((_B, _D), jnp.float32),
        scratch_types=[
            pltpu.VMEM((b_per_w,), jnp.int32),
            pltpu.VMEM((b_per_w, _D), jnp.float32),
            pltpu.SemaphoreType.DMA,
        ],
    )
    def k(table_hbm, idx_hbm, out_hbm, idx_v, rows_v, sem):
        wid = (jax.lax.axis_index("s") * info.num_cores
               + jax.lax.axis_index("c"))
        base = wid * b_per_w
        pltpu.sync_copy(idx_hbm.at[pl.ds(base, b_per_w)], idx_v)
        pltpu.async_copy(table_hbm.at[idx_v], rows_v, sem).wait()
        pltpu.sync_copy(rows_v, out_hbm.at[pl.ds(base, b_per_w)])

    return k(table, idx)


def kernel(hyp_emb, anchors):
    amt, af32 = pl.pallas_call(
        _prep_kernel,
        in_specs=[
            pl.BlockSpec((_D, _K), lambda: (0, 0)),
            pl.BlockSpec((_K, _D), lambda: (0, 0)),
        ],
        out_specs=[
            pl.BlockSpec((_D, _K), lambda: (0, 0)),
            pl.BlockSpec((_K, _D), lambda: (0, 0)),
        ],
        out_shape=[
            jax.ShapeDtypeStruct((_D, _K), jnp.bfloat16),
            jax.ShapeDtypeStruct((_K, _D), jnp.float32),
        ],
    )(anchors.T, anchors)

    idx, wv = pl.pallas_call(
        _select_kernel,
        grid=(_B // _BM,),
        in_specs=[
            pl.BlockSpec((_BM, _D), lambda i: (i, 0)),
            pl.BlockSpec((_D, _K), lambda i: (0, 0)),
        ],
        out_specs=[
            pl.BlockSpec((_BM, 1), lambda i: (i, 0)),
            pl.BlockSpec((_BM, 1), lambda i: (i, 0)),
        ],
        out_shape=[
            jax.ShapeDtypeStruct((_B, 1), jnp.int32),
            jax.ShapeDtypeStruct((_B, 1), jnp.float32),
        ],
    )(hyp_emb, amt)

    nearest = _sc_gather(af32, idx.reshape(_B))

    return pl.pallas_call(
        _map_kernel,
        grid=(_B // _BMAP,),
        in_specs=[
            pl.BlockSpec((_BMAP, _D), lambda i: (i, 0)),
            pl.BlockSpec((_BMAP, _D), lambda i: (i, 0)),
            pl.BlockSpec((_BMAP, 1), lambda i: (i, 0)),
        ],
        out_specs=pl.BlockSpec((_BMAP, _D), lambda i: (i, 0)),
        out_shape=jax.ShapeDtypeStruct((_B, _D), jnp.float32),
    )(hyp_emb, nearest, wv)

# --- scband reference (transcript-rebuilt; emitter-appended) ---
"""Pipeline reference for scband-homeostatic-field-hardened-25615184953649 (READ-ONLY COPY).

The authoritative reference and input builder live on the scoring server;
editing this copy changes nothing except your own understanding.
"""

import jax, jax.numpy as jnp
import numpy as np

B = 16384
N = 127
K = 1024
ALPHA = 0.1
EPS = 1e-7


def proj(x):
    s = x[..., 1:]
    t = jnp.sqrt(1.0 + jnp.sum(s * s, axis=-1, keepdims=True))
    return jnp.concatenate([t, s], axis=-1)


def l_inner(x, y):
    # Lorentz inner product <x,y>_L = -x0*y0 + sum_i xi*yi
    return jnp.sum(x * y, axis=-1) - 2.0 * x[..., 0] * y[..., 0]


def safe_acosh(x):
    return jnp.arccosh(jnp.maximum(x, 1.0 + EPS))


def log_map(x, y):
    inn = l_inner(x, y)
    d = safe_acosh(-inn)
    u = y + inn[..., None] * x
    un = jnp.sqrt(jnp.maximum(l_inner(u, u), 1e-12))
    return (d / un)[..., None] * u


def exp_map(x, v):
    vn = jnp.sqrt(jnp.maximum(l_inner(v, v), 1e-12))
    return jnp.cosh(vn)[..., None] * x + (jnp.sinh(vn) / vn)[..., None] * v


def setup_inputs(seed: int = 0):
    key = jax.random.key(seed)
    k1, k2 = jax.random.split(key)
    # Embeddings generated on the hyperboloid (time component from spatial part)
    s = jax.random.normal(k1, (B, N), dtype=jnp.float32) * 0.5
    t = jnp.sqrt(1.0 + jnp.sum(s * s, axis=-1, keepdims=True))
    hyp_emb = jnp.concatenate([t, s], axis=-1)
    # Learned anchor parameter, initialized like the torch module
    a_s = jax.random.normal(k2, (K, N), dtype=jnp.float32) * 0.01
    a_t = jnp.sqrt(1.0 + jnp.sum(a_s * a_s, axis=-1, keepdims=True))
    anchors = jnp.concatenate([a_t, a_s], axis=-1)
    return {"hyp_emb": hyp_emb, "anchors": anchors}


def reference(hyp_emb, anchors):
    anchors_fixed = proj(anchors)
    # distance_matrix_points: pairwise Lorentz inner then geodesic distance
    inner = -hyp_emb[:, :1] @ anchors_fixed[:, :1].T + hyp_emb[:, 1:] @ anchors_fixed[:, 1:].T
    dists = safe_acosh(-inner)
    nearest_idx = jnp.argmin(dists, axis=1)
    nearest = jnp.take(anchors_fixed, nearest_idx, axis=0)
    direction = log_map(hyp_emb, nearest)
    return exp_map(hyp_emb, ALPHA * direction)

if __name__ == "__main__":
    import jax
    _d = setup_inputs()
    print(jax.jit(kernel)(*tuple(_d.values())))

</pallas_src>

<mosaic_0001>
#map = affine_map<(d0, d1) -> (0, 0)>
#map1 = affine_map<(d0, d1) -> (0)>
module attributes {stable_mosaic.version = 14 : i64} {
  func.func @k(%arg0: i32, %arg1: i32, %arg2: memref<1024x128xf32, #tpu.memory_space<hbm>>, %arg3: memref<16384xi32, #tpu.memory_space<hbm>>, %arg4: memref<16384x128xf32, #tpu.memory_space<hbm>>, %arg5: memref<512xi32, #tpu.memory_space<vmem>>, %arg6: memref<512x128xf32, #tpu.memory_space<vmem>>, %arg7: memref<!tpu.dma_semaphore, #tpu.memory_space<semaphore_mem>>) attributes {dimension_semantics = [#tpu.dimension_semantics<core_parallel>, #tpu.dimension_semantics<subcore_parallel>], iteration_bounds = array<i64: 2, 16>, scalar_prefetch = 0 : i64, scratch_operands = 3 : i64, tpu.core_type = #tpu.core_type<sc_vector_subcore>, window_params = [{transform_indices = #map}, {transform_indices = #map1}, {transform_indices = #map}]} {
    %mul3A = arith.constant 2 : i32
    %mul3A_0 = arith.muli %arg1, %mul3A : i32
    %add3A = arith.addi %mul3A_0, %arg0 : i32
    %mul3A_1 = arith.constant 512 : i32
    %mul3A_2 = arith.muli %add3A, %mul3A_1 : i32
    "tpu.region"() ({
      %run_scoped3A = tpu.sem_alloc : memref<!tpu.dma_semaphore, #tpu.memory_space<semaphore_mem>>
      %dma_start3A_7 = tpu.memref_slice %arg3[%mul3A_2] : memref<16384xi32, #tpu.memory_space<hbm>> -> memref<512xi32, #tpu.memory_space<hbm>>
      %dma_start3A_8 = tpu.memref_slice %arg3[%mul3A_2] : memref<16384xi32, #tpu.memory_space<hbm>> -> memref<512xi32, #tpu.memory_space<hbm>>
      tpu.enqueue_dma source(%dma_start3A_8 : memref<512xi32, #tpu.memory_space<hbm>>) target(%arg5 : memref<512xi32, #tpu.memory_space<vmem>>) target_semaphore(%run_scoped3A : memref<!tpu.dma_semaphore, #tpu.memory_space<semaphore_mem>>)
      %dma_wait3A_9 = tpu.memref_slice %arg3[%mul3A_2] : memref<16384xi32, #tpu.memory_space<hbm>> -> memref<512xi32, #tpu.memory_space<hbm>>
      %dma_wait3A_10 = tpu.memref_slice %arg3[%mul3A_2] : memref<16384xi32, #tpu.memory_space<hbm>> -> memref<512xi32, #tpu.memory_space<hbm>>
      tpu.wait_dma2 semaphore(%run_scoped3A : memref<!tpu.dma_semaphore, #tpu.memory_space<semaphore_mem>>) src(%dma_wait3A_10 : memref<512xi32, #tpu.memory_space<hbm>>) dst(%arg5 : memref<512xi32, #tpu.memory_space<vmem>>)
      tpu.yield
    }) : () -> ()
    %dma_start3A = arith.constant 0 : i32
    %dma_start3A_3 = arith.constant 0 : i32
    %dma_start3A_4 = tpu.memref_slice %arg2[%dma_start3A, %dma_start3A_3] : memref<1024x128xf32, #tpu.memory_space<hbm>> -> memref<1024x128xf32, #tpu.memory_space<hbm>>
    tpu.enqueue_indirect_dma source(%dma_start3A_4 : memref<1024x128xf32, #tpu.memory_space<hbm>>) target(%arg6 : memref<512x128xf32, #tpu.memory_space<vmem>>) offsets(%arg5 : memref<512xi32, #tpu.memory_space<vmem>>) semaphore(%arg7 : memref<!tpu.dma_semaphore, #tpu.memory_space<semaphore_mem>>)
    %dma_wait3A = arith.constant 0 : i32
    %dma_wait3A_5 = arith.constant 0 : i32
    %dma_wait3A_6 = tpu.memref_slice %arg2[%dma_wait3A, %dma_wait3A_5] : memref<1024x128xf32, #tpu.memory_space<hbm>> -> memref<1024x128xf32, #tpu.memory_space<hbm>>
    tpu.wait_indirect_dma semaphore(%arg7 : memref<!tpu.dma_semaphore, #tpu.memory_space<semaphore_mem>>) src(%dma_wait3A_6 : memref<1024x128xf32, #tpu.memory_space<hbm>>) dst(%arg6 : memref<512x128xf32, #tpu.memory_space<vmem>>)
    "tpu.region"() ({
      %run_scoped3A = tpu.sem_alloc : memref<!tpu.dma_semaphore, #tpu.memory_space<semaphore_mem>>
      %dma_start3A_7 = arith.constant 0 : i32
      %dma_start3A_8 = tpu.memref_slice %arg4[%mul3A_2, %dma_start3A_7] : memref<16384x128xf32, #tpu.memory_space<hbm>> -> memref<512x128xf32, #tpu.memory_space<hbm>>
      %dma_start3A_9 = arith.constant 0 : i32
      %dma_start3A_10 = tpu.memref_slice %arg4[%mul3A_2, %dma_start3A_9] : memref<16384x128xf32, #tpu.memory_space<hbm>> -> memref<512x128xf32, #tpu.memory_space<hbm>>
      tpu.enqueue_dma source(%arg6 : memref<512x128xf32, #tpu.memory_space<vmem>>) target(%dma_start3A_10 : memref<512x128xf32, #tpu.memory_space<hbm>>) target_semaphore(%run_scoped3A : memref<!tpu.dma_semaphore, #tpu.memory_space<semaphore_mem>>)
      %dma_wait3A_11 = arith.constant 0 : i32
      %dma_wait3A_12 = tpu.memref_slice %arg4[%mul3A_2, %dma_wait3A_11] : memref<16384x128xf32, #tpu.memory_space<hbm>> -> memref<512x128xf32, #tpu.memory_space<hbm>>
      %dma_wait3A_13 = arith.constant 0 : i32
      %dma_wait3A_14 = tpu.memref_slice %arg4[%mul3A_2, %dma_wait3A_13] : memref<16384x128xf32, #tpu.memory_space<hbm>> -> memref<512x128xf32, #tpu.memory_space<hbm>>
      tpu.wait_dma2 semaphore(%run_scoped3A : memref<!tpu.dma_semaphore, #tpu.memory_space<semaphore_mem>>) src(%arg6 : memref<512x128xf32, #tpu.memory_space<vmem>>) dst(%dma_wait3A_14 : memref<512x128xf32, #tpu.memory_space<hbm>>)
      tpu.yield
    }) : () -> ()
    return
  }
}

module attributes {stable_mosaic.version = 14 : i64} {
  func.func @_prep_kernel(%arg0: memref<128x1024xf32, #tpu.memory_space<vmem>>, %arg1: memref<1024x128xf32, #tpu.memory_space<vmem>>, %arg2: memref<128x1024xbf16, #tpu.memory_space<vmem>>, %arg3: memref<1024x128xf32, #tpu.memory_space<vmem>>) attributes {dimension_semantics = [], scalar_prefetch = 0 : i64, scratch_operands = 0 : i64, tpu.core_type = #tpu.core_type<tc>} {
    %get3A = arith.constant 0 : index
    %get3A_0 = arith.constant 0 : index
    %get3A_1 = vector.load %arg0[%get3A, %get3A_0] : memref<128x1024xf32, #tpu.memory_space<vmem>>, vector<128x1024xf32>
    %iota3A = tpu.iota {dimensions = array<i32: 0>} : vector<128x1xi32>
    %eq3A = arith.constant 0 : i32
    %eq3A_2 = vector.broadcast %eq3A : i32 to vector<128x1xi32>
    %eq3A_3 = arith.cmpi eq, %iota3A, %eq3A_2 : vector<128x1xi32>
    %mul3A = arith.mulf %get3A_1, %get3A_1 : vector<128x1024xf32>
    %reduce_sum3A = arith.constant dense<0.000000e+00> : vector<1024xf32>
    %reduce_sum3A_4 = vector.multi_reduction <add>, %mul3A, %reduce_sum3A [0] : vector<128x1024xf32> to vector<1024xf32>
    %broadcast_in_dim3A = vector.shape_cast %reduce_sum3A_4 : vector<1024xf32> to vector<1x1024xf32>
    %jit3A = arith.constant 0.000000e+00 : f32
    %broadcast_in_dim3A_5 = vector.shape_cast %eq3A_3 : vector<128x1xi1> to vector<128x1xi1>
    %broadcast_in_dim3A_6 = vector.broadcast %broadcast_in_dim3A_5 : vector<128x1xi1> to vector<128x1024xi1>
    %broadcast_in_dim3A_7 = vector.broadcast %jit3A : f32 to vector<128x1024xf32>
    %select_n3A = arith.select %broadcast_in_dim3A_6, %get3A_1, %broadcast_in_dim3A_7 : vector<128x1024xi1>, vector<128x1024xf32>
    %reduce_sum3A_8 = arith.constant dense<0.000000e+00> : vector<1024xf32>
    %reduce_sum3A_9 = vector.multi_reduction <add>, %select_n3A, %reduce_sum3A_8 [0] : vector<128x1024xf32> to vector<1024xf32>
    %broadcast_in_dim3A_10 = vector.shape_cast %reduce_sum3A_9 : vector<1024xf32> to vector<1x1024xf32>
    %add3A = arith.constant 1.000000e+00 : f32
    %add3A_11 = vector.broadcast %add3A : f32 to vector<1x1024xf32>
    %add3A_12 = arith.addf %add3A_11, %broadcast_in_dim3A : vector<1x1024xf32>
    %mul3A_13 = arith.mulf %broadcast_in_dim3A_10, %broadcast_in_dim3A_10 : vector<1x1024xf32>
    %sub3A = arith.subf %add3A_12, %mul3A_13 : vector<1x1024xf32>
    %sqrt3A = math.sqrt %sub3A : vector<1x1024xf32>
    %neg3A = arith.constant 0.000000e+00 : f32
    %neg3A_14 = vector.broadcast %neg3A : f32 to vector<1x1024xf32>
    %neg3A_15 = arith.subf %neg3A_14, %sqrt3A : vector<1x1024xf32>
    %broadcast_in_dim3A_16 = vector.shape_cast %eq3A_3 : vector<128x1xi1> to vector<128x1xi1>
    %broadcast_in_dim3A_17 = vector.broadcast %broadcast_in_dim3A_16 : vector<128x1xi1> to vector<128x1024xi1>
    %broadcast_in_dim3A_18 = vector.shape_cast %neg3A_15 : vector<1x1024xf32> to vector<1x1024xf32>
    %broadcast_in_dim3A_19 = vector.broadcast %broadcast_in_dim3A_18 : vector<1x1024xf32> to vector<128x1024xf32>
    %select_n3A_20 = arith.select %broadcast_in_dim3A_17, %broadcast_in_dim3A_19, %get3A_1 : vector<128x1024xi1>, vector<128x1024xf32>
    %convert_element_type3A = arith.truncf %select_n3A_20 : vector<128x1024xf32> to vector<128x1024xbf16>
    %swap3A = arith.constant 0 : index
    %swap3A_21 = arith.constant 0 : index
    %swap3A_22 = vector.load %arg2[%swap3A, %swap3A_21] : memref<128x1024xbf16, #tpu.memory_space<vmem>>, vector<128x1024xbf16>
    tpu.vector_store %arg2[%swap3A, %swap3A_21], %convert_element_type3A {strides = array<i32>} : memref<128x1024xbf16, #tpu.memory_space<vmem>>, vector<128x1024xbf16>,
    %get3A_23 = arith.constant 0 : index
    %get3A_24 = arith.constant 0 : index
    %get3A_25 = vector.load %arg1[%get3A_23, %get3A_24] : memref<1024x128xf32, #tpu.memory_space<vmem>>, vector<1024x128xf32>
    %iota3A_26 = tpu.iota {dimensions = array<i32: 1>} : vector<1x128xi32>
    %eq3A_27 = arith.constant 0 : i32
    %eq3A_28 = vector.broadcast %eq3A_27 : i32 to vector<1x128xi32>
    %eq3A_29 = arith.cmpi eq, %iota3A_26, %eq3A_28 : vector<1x128xi32>
    %mul3A_30 = arith.mulf %get3A_25, %get3A_25 : vector<1024x128xf32>
    %reduce_sum3A_31 = arith.constant dense<0.000000e+00> : vector<1024xf32>
    %reduce_sum3A_32 = vector.multi_reduction <add>, %mul3A_30, %reduce_sum3A_31 [1] : vector<1024x128xf32> to vector<1024xf32>
    %broadcast_in_dim3A_33 = vector.shape_cast %reduce_sum3A_32 : vector<1024xf32> to vector<1024x1xf32>
    %jit3A_34 = arith.constant 0.000000e+00 : f32
    %broadcast_in_dim3A_35 = vector.shape_cast %eq3A_29 : vector<1x128xi1> to vector<1x128xi1>
    %broadcast_in_dim3A_36 = vector.broadcast %broadcast_in_dim3A_35 : vector<1x128xi1> to vector<1024x128xi1>
    %broadcast_in_dim3A_37 = vector.broadcast %jit3A_34 : f32 to vector<1024x128xf32>
    %select_n3A_38 = arith.select %broadcast_in_dim3A_36, %get3A_25, %broadcast_in_dim3A_37 : vector<1024x128xi1>, vector<1024x128xf32>
    %reduce_sum3A_39 = arith.constant dense<0.000000e+00> : vector<1024xf32>
    %reduce_sum3A_40 = vector.multi_reduction <add>, %select_n3A_38, %reduce_sum3A_39 [1] : vector<1024x128xf32> to vector<1024xf32>
    %broadcast_in_dim3A_41 = vector.shape_cast %reduce_sum3A_40 : vector<1024xf32> to vector<1024x1xf32>
    %add3A_42 = arith.constant 1.000000e+00 : f32
    %add3A_43 = vector.broadcast %add3A_42 : f32 to vector<1024x1xf32>
    %add3A_44 = arith.addf %add3A_43, %broadcast_in_dim3A_33 : vector<1024x1xf32>
    %mul3A_45 = arith.mulf %broadcast_in_dim3A_41, %broadcast_in_dim3A_41 : vector<1024x1xf32>
    %sub3A_46 = arith.subf %add3A_44, %mul3A_45 : vector<1024x1xf32>
    %sqrt3A_47 = math.sqrt %sub3A_46 : vector<1024x1xf32>
    %broadcast_in_dim3A_48 = vector.shape_cast %eq3A_29 : vector<1x128xi1> to vector<1x128xi1>
    %broadcast_in_dim3A_49 = vector.broadcast %broadcast_in_dim3A_48 : vector<1x128xi1> to vector<1024x128xi1>
    %broadcast_in_dim3A_50 = vector.shape_cast %sqrt3A_47 : vector<1024x1xf32> to vector<1024x1xf32>
    %broadcast_in_dim3A_51 = vector.broadcast %broadcast_in_dim3A_50 : vector<1024x1xf32> to vector<1024x128xf32>
    %select_n3A_52 = arith.select %broadcast_in_dim3A_49, %broadcast_in_dim3A_51, %get3A_25 : vector<1024x128xi1>, vector<1024x128xf32>
    %swap3A_53 = arith.constant 0 : index
    %swap3A_54 = arith.constant 0 : index
    %swap3A_55 = vector.load %arg3[%swap3A_53, %swap3A_54] : memref<1024x128xf32, #tpu.memory_space<vmem>>, vector<1024x128xf32>
    tpu.vector_store %arg3[%swap3A_53, %swap3A_54], %select_n3A_52 {strides = array<i32>} : memref<1024x128xf32, #tpu.memory_space<vmem>>, vector<1024x128xf32>,
    return
  }
}

module attributes {stable_mosaic.version = 14 : i64} {
  func.func @_select_kernel(%arg0: i32, %arg1: memref<8192x128xf32, #tpu.memory_space<vmem>>, %arg2: memref<128x1024xbf16, #tpu.memory_space<vmem>>, %arg3: memref<8192x1xi32, #tpu.memory_space<vmem>>, %arg4: memref<8192x1xf32, #tpu.memory_space<vmem>>) attributes {dimension_semantics = [#tpu.dimension_semantics<arbitrary>], iteration_bounds = array<i64: 2>, scalar_prefetch = 0 : i64, scratch_operands = 0 : i64, tpu.core_type = #tpu.core_type<tc>, window_params = [{transform_indices = @transform_0, window_bounds = array<i64: 8192, 128>}, {pipeline_mode = #tpu.pipeline_mode<synchronous>, transform_indices = @transform_1, window_bounds = array<i64: 128, 1024>}, {transform_indices = @transform_2, window_bounds = array<i64: 8192, 1>}, {transform_indices = @transform_3, window_bounds = array<i64: 8192, 1>}]} {
    %get3A = arith.constant 0 : index
    %get3A_0 = arith.constant 0 : index
    %get3A_1 = vector.load %arg2[%get3A, %get3A_0] : memref<128x1024xbf16, #tpu.memory_space<vmem>>, vector<128x1024xbf16>
    %get3A_2 = arith.constant 0 : index
    %get3A_3 = arith.constant 0 : index
    %get3A_4 = vector.load %arg1[%get3A_2, %get3A_3] : memref<8192x128xf32, #tpu.memory_space<vmem>>, vector<512x128xf32>
    %convert_element_type3A = arith.truncf %get3A_4 : vector<512x128xf32> to vector<512x128xbf16>
    %dot_general3A = arith.constant dense<0.000000e+00> : vector<512x1024xf32>
    %dot_general3A_5 = tpu.matmul %convert_element_type3A, %get3A_1, %dot_general3A {dimension_numbers = #tpu.dot_dimension_numbers<[1], [0], [0], [1], [0, 0, 1, 1], [], []>, transpose_lhs_hint = false} : vector<512x128xbf16>, vector<128x1024xbf16>, vector<512x1024xf32> -> vector<512x1024xf32>
    %bitcast_convert_type3A = tpu.bitcast %dot_general3A_5 : vector<512x1024xf32> -> vector<512x1024xi32>
    %iota3A = tpu.iota {dimensions = array<i32: 1>} : vector<512x1024xi32>
    %and3A = arith.constant -1024 : i32
    %and3A_6 = vector.broadcast %and3A : i32 to vector<512x1024xi32>
    %and3A_7 = arith.andi %bitcast_convert_type3A, %and3A_6 : vector<512x1024xi32>
    %or3A = arith.ori %and3A_7, %iota3A : vector<512x1024xi32>
    %reduce_min3A = arith.constant dense<2147483647> : vector<512xi32>
    %reduce_min3A_8 = vector.multi_reduction <minsi>, %or3A, %reduce_min3A [1] : vector<512x1024xi32> to vector<512xi32>
    %broadcast_in_dim3A = vector.shape_cast %reduce_min3A_8 : vector<512xi32> to vector<512x1xi32>
    %and3A_9 = arith.constant 1023 : i32
    %and3A_10 = vector.broadcast %and3A_9 : i32 to vector<512x1xi32>
    %and3A_11 = arith.andi %broadcast_in_dim3A, %and3A_10 : vector<512x1xi32>
    %swap3A = arith.constant 0 : index
    %swap3A_12 = arith.constant 0 : index
    %swap3A_13 = vector.load %arg3[%swap3A, %swap3A_12] : memref<8192x1xi32, #tpu.memory_space<vmem>>, vector<512x1xi32>
    tpu.vector_store %arg3[%swap3A, %swap3A_12], %and3A_11 {strides = array<i32>} : memref<8192x1xi32, #tpu.memory_space<vmem>>, vector<512x1xi32>,
    %and3A_14 = arith.constant -1024 : i32
    %and3A_15 = vector.broadcast %and3A_14 : i32 to vector<512x1xi32>
    %and3A_16 = arith.andi %broadcast_in_dim3A, %and3A_15 : vector<512x1xi32>
    %bitcast_convert_type3A_17 = tpu.bitcast %and3A_16 : vector<512x1xi32> -> vector<512x1xf32>
    %neg3A = arith.constant 0.000000e+00 : f32
    %neg3A_18 = vector.broadcast %neg3A : f32 to vector<512x1xf32>
    %neg3A_19 = arith.subf %neg3A_18, %bitcast_convert_type3A_17 : vector<512x1xf32>
    %max3A = arith.constant 1.00000012 : f32
    %max3A_20 = vector.broadcast %max3A : f32 to vector<512x1xf32>
    %max3A_21 = arith.maximumf %neg3A_19, %max3A_20 : vector<512x1xf32>
    %swap3A_22 = arith.constant 0 : index
    %swap3A_23 = arith.constant 0 : index
    %swap3A_24 = vector.load %arg4[%swap3A_22, %swap3A_23] : memref<8192x1xf32, #tpu.memory_space<vmem>>, vector<512x1xf32>
    tpu.vector_store %arg4[%swap3A_22, %swap3A_23], %max3A_21 {strides = array<i32>} : memref<8192x1xf32, #tpu.memory_space<vmem>>, vector<512x1xf32>,
    %get3A_25 = arith.constant 512 : index
    %get3A_26 = arith.constant 0 : index
    %get3A_27 = vector.load %arg1[%get3A_25, %get3A_26] : memref<8192x128xf32, #tpu.memory_space<vmem>>, vector<512x128xf32>
    %convert_element_type3A_28 = arith.truncf %get3A_27 : vector<512x128xf32> to vector<512x128xbf16>
    %dot_general3A_29 = arith.constant dense<0.000000e+00> : vector<512x1024xf32>
    %dot_general3A_30 = tpu.matmul %convert_element_type3A_28, %get3A_1, %dot_general3A_29 {dimension_numbers = #tpu.dot_dimension_numbers<[1], [0], [0], [1], [0, 0, 1, 1], [], []>, transpose_lhs_hint = false} : vector<512x128xbf16>, vector<128x1024xbf16>, vector<512x1024xf32> -> vector<512x1024xf32>
    %bitcast_convert_type3A_31 = tpu.bitcast %dot_general3A_30 : vector<512x1024xf32> -> vector<512x1024xi32>
    %iota3A_32 = tpu.iota {dimensions = array<i32: 1>} : vector<512x1024xi32>
    %and3A_33 = arith.constant -1024 : i32
    %and3A_34 = vector.broadcast %and3A_33 : i32 to vector<512x1024xi32>
    %and3A_35 = arith.andi %bitcast_convert_type3A_31, %and3A_34 : vector<512x1024xi32>
    %or3A_36 = arith.ori %and3A_35, %iota3A_32 : vector<512x1024xi32>
    %reduce_min3A_37 = arith.constant dense<2147483647> : vector<512xi32>
    %reduce_min3A_38 = vector.multi_reduction <minsi>, %or3A_36, %reduce_min3A_37 [1] : vector<512x1024xi32> to vector<512xi32>
    %broadcast_in_dim3A_39 = vector.shape_cast %reduce_min3A_38 : vector<512xi32> to vector<512x1xi32>
    %and3A_40 = arith.constant 1023 : i32
    %and3A_41 = vector.broadcast %and3A_40 : i32 to vector<512x1xi32>
    %and3A_42 = arith.andi %broadcast_in_dim3A_39, %and3A_41 : vector<512x1xi32>
    %swap3A_43 = arith.constant 512 : index
    %swap3A_44 = arith.constant 0 : index
    %swap3A_45 = vector.load %arg3[%swap3A_43, %swap3A_44] : memref<8192x1xi32, #tpu.memory_space<vmem>>, vector<512x1xi32>
    tpu.vector_store %arg3[%swap3A_43, %swap3A_44], %and3A_42 {strides = array<i32>} : memref<8192x1xi32, #tpu.memory_space<vmem>>, vector<512x1xi32>,
    %and3A_46 = arith.constant -1024 : i32
    %and3A_47 = vector.broadcast %and3A_46 : i32 to vector<512x1xi32>
    %and3A_48 = arith.andi %broadcast_in_dim3A_39, %and3A_47 : vector<512x1xi32>
    %bitcast_convert_type3A_49 = tpu.bitcast %and3A_48 : vector<512x1xi32> -> vector<512x1xf32>
    %neg3A_50 = arith.constant 0.000000e+00 : f32
    %neg3A_51 = vector.broadcast %neg3A_50 : f32 to vector<512x1xf32>
    %neg3A_52 = arith.subf %neg3A_51, %bitcast_convert_type3A_49 : vector<512x1xf32>
    %max3A_53 = arith.constant 1.00000012 : f32
    %max3A_54 = vector.broadcast %max3A_53 : f32 to vector<512x1xf32>
    %max3A_55 = arith.maximumf %neg3A_52, %max3A_54 : vector<512x1xf32>
    %swap3A_56 = arith.constant 512 : index
    %swap3A_57 = arith.constant 0 : index
    %swap3A_58 = vector.load %arg4[%swap3A_56, %swap3A_57] : memref<8192x1xf32, #tpu.memory_space<vmem>>, vector<512x1xf32>
    tpu.vector_store %arg4[%swap3A_56, %swap3A_57], %max3A_55 {strides = array<i32>} : memref<8192x1xf32, #tpu.memory_space<vmem>>, vector<512x1xf32>,
    %get3A_59 = arith.constant 1024 : index
    %get3A_60 = arith.constant 0 : index
    %get3A_61 = vector.load %arg1[%get3A_59, %get3A_60] : memref<8192x128xf32, #tpu.memory_space<vmem>>, vector<512x128xf32>
    %convert_element_type3A_62 = arith.truncf %get3A_61 : vector<512x128xf32> to vector<512x128xbf16>
    %dot_general3A_63 = arith.constant dense<0.000000e+00> : vector<512x1024xf32>
    %dot_general3A_64 = tpu.matmul %convert_element_type3A_62, %get3A_1, %dot_general3A_63 {dimension_numbers = #tpu.dot_dimension_numbers<[1], [0], [0], [1], [0, 0, 1, 1], [], []>, transpose_lhs_hint = false} : vector<512x128xbf16>, vector<128x1024xbf16>, vector<512x1024xf32> -> vector<512x1024xf32>
    %bitcast_convert_type3A_65 = tpu.bitcast %dot_general3A_64 : vector<512x1024xf32> -> vector<512x1024xi32>
    %iota3A_66 = tpu.iota {dimensions = array<i32: 1>} : vector<512x1024xi32>
    %and3A_67 = arith.constant -1024 : i32
    %and3A_68 = vector.broadcast %and3A_67 : i32 to vector<512x1024xi32>
    %and3A_69 = arith.andi %bitcast_convert_type3A_65, %and3A_68 : vector<512x1024xi32>
    %or3A_70 = arith.ori %and3A_69, %iota3A_66 : vector<512x1024xi32>
    %reduce_min3A_71 = arith.constant dense<2147483647> : vector<512xi32>
    %reduce_min3A_72 = vector.multi_reduction <minsi>, %or3A_70, %reduce_min3A_71 [1] : vector<512x1024xi32> to vector<512xi32>
    %broadcast_in_dim3A_73 = vector.shape_cast %reduce_min3A_72 : vector<512xi32> to vector<512x1xi32>
    %and3A_74 = arith.constant 1023 : i32
    %and3A_75 = vector.broadcast %and3A_74 : i32 to vector<512x1xi32>
    %and3A_76 = arith.andi %broadcast_in_dim3A_73, %and3A_75 : vector<512x1xi32>
    %swap3A_77 = arith.constant 1024 : index
    %swap3A_78 = arith.constant 0 : index
    %swap3A_79 = vector.load %arg3[%swap3A_77, %swap3A_78] : memref<8192x1xi32, #tpu.memory_space<vmem>>, vector<512x1xi32>
    tpu.vector_store %arg3[%swap3A_77, %swap3A_78], %and3A_76 {strides = array<i32>} : memref<8192x1xi32, #tpu.memory_space<vmem>>, vector<512x1xi32>,
    %and3A_80 = arith.constant -1024 : i32
    %and3A_81 = vector.broadcast %and3A_80 : i32 to vector<512x1xi32>
    %and3A_82 = arith.andi %broadcast_in_dim3A_73, %and3A_81 : vector<512x1xi32>
    %bitcast_convert_type3A_83 = tpu.bitcast %and3A_82 : vector<512x1xi32> -> vector<512x1xf32>
    %neg3A_84 = arith.constant 0.000000e+00 : f32
    %neg3A_85 = vector.broadcast %neg3A_84 : f32 to vector<512x1xf32>
    %neg3A_86 = arith.subf %neg3A_85, %bitcast_convert_type3A_83 : vector<512x1xf32>
    %max3A_87 = arith.constant 1.00000012 : f32
    %max3A_88 = vector.broadcast %max3A_87 : f32 to vector<512x1xf32>
    %max3A_89 = arith.maximumf %neg3A_86, %max3A_88 : vector<512x1xf32>
    %swap3A_90 = arith.constant 1024 : index
    %swap3A_91 = arith.constant 0 : index
    %swap3A_92 = vector.load %arg4[%swap3A_90, %swap3A_91] : memref<8192x1xf32, #tpu.memory_space<vmem>>, vector<512x1xf32>
    tpu.vector_store %arg4[%swap3A_90, %swap3A_91], %max3A_89 {strides = array<i32>} : memref<8192x1xf32, #tpu.memory_space<vmem>>, vector<512x1xf32>,
    %get3A_93 = arith.constant 1536 : index
    %get3A_94 = arith.constant 0 : index
    %get3A_95 = vector.load %arg1[%get3A_93, %get3A_94] : memref<8192x128xf32, #tpu.memory_space<vmem>>, vector<512x128xf32>
    %convert_element_type3A_96 = arith.truncf %get3A_95 : vector<512x128xf32> to vector<512x128xbf16>
    %dot_general3A_97 = arith.constant dense<0.000000e+00> : vector<512x1024xf32>
    %dot_general3A_98 = tpu.matmul %convert_element_type3A_96, %get3A_1, %dot_general3A_97 {dimension_numbers = #tpu.dot_dimension_numbers<[1], [0], [0], [1], [0, 0, 1, 1], [], []>, transpose_lhs_hint = false} : vector<512x128xbf16>, vector<128x1024xbf16>, vector<512x1024xf32> -> vector<512x1024xf32>
    %bitcast_convert_type3A_99 = tpu.bitcast %dot_general3A_98 : vector<512x1024xf32> -> vector<512x1024xi32>
    %iota3A_100 = tpu.iota {dimensions = array<i32: 1>} : vector<512x1024xi32>
    %and3A_101 = arith.constant -1024 : i32
    %and3A_102 = vector.broadcast %and3A_101 : i32 to vector<512x1024xi32>
    %and3A_103 = arith.andi %bitcast_convert_type3A_99, %and3A_102 : vector<512x1024xi32>
    %or3A_104 = arith.ori %and3A_103, %iota3A_100 : vector<512x1024xi32>
    %reduce_min3A_105 = arith.constant dense<2147483647> : vector<512xi32>
    %reduce_min3A_106 = vector.multi_reduction <minsi>, %or3A_104, %reduce_min3A_105 [1] : vector<512x1024xi32> to vector<512xi32>
    %broadcast_in_dim3A_107 = vector.shape_cast %reduce_min3A_106 : vector<512xi32> to vector<512x1xi32>
    %and3A_108 = arith.constant 1023 : i32
    %and3A_109 = vector.broadcast %and3A_108 : i32 to vector<512x1xi32>
    %and3A_110 = arith.andi %broadcast_in_dim3A_107, %and3A_109 : vector<512x1xi32>
    %swap3A_111 = arith.constant 1536 : index
    %swap3A_112 = arith.constant 0 : index
    %swap3A_113 = vector.load %arg3[%swap3A_111, %swap3A_112] : memref<8192x1xi32, #tpu.memory_space<vmem>>, vector<512x1xi32>
    tpu.vector_store %arg3[%swap3A_111, %swap3A_112], %and3A_110 {strides = array<i32>} : memref<8192x1xi32, #tpu.memory_space<vmem>>, vector<512x1xi32>,
    %and3A_114 = arith.constant -1024 : i32
    %and3A_115 = vector.broadcast %and3A_114 : i32 to vector<512x1xi32>
    %and3A_116 = arith.andi %broadcast_in_dim3A_107, %and3A_115 : vector<512x1xi32>
    %bitcast_convert_type3A_117 = tpu.bitcast %and3A_116 : vector<512x1xi32> -> vector<512x1xf32>
    %neg3A_118 = arith.constant 0.000000e+00 : f32
    %neg3A_119 = vector.broadcast %neg3A_118 : f32 to vector<512x1xf32>
    %neg3A_120 = arith.subf %neg3A_119, %bitcast_convert_type3A_117 : vector<512x1xf32>
    %max3A_121 = arith.constant 1.00000012 : f32
    %max3A_122 = vector.broadcast %max3A_121 : f32 to vector<512x1xf32>
    %max3A_123 = arith.maximumf %neg3A_120, %max3A_122 : vector<512x1xf32>
    %swap3A_124 = arith.constant 1536 : index
    %swap3A_125 = arith.constant 0 : index
    %swap3A_126 = vector.load %arg4[%swap3A_124, %swap3A_125] : memref<8192x1xf32, #tpu.memory_space<vmem>>, vector<512x1xf32>
    tpu.vector_store %arg4[%swap3A_124, %swap3A_125], %max3A_123 {strides = array<i32>} : memref<8192x1xf32, #tpu.memory_space<vmem>>, vector<512x1xf32>,
    %get3A_127 = arith.constant 2048 : index
    %get3A_128 = arith.constant 0 : index
    %get3A_129 = vector.load %arg1[%get3A_127, %get3A_128] : memref<8192x128xf32, #tpu.memory_space<vmem>>, vector<512x128xf32>
    %convert_element_type3A_130 = arith.truncf %get3A_129 : vector<512x128xf32> to vector<512x128xbf16>
    %dot_general3A_131 = arith.constant dense<0.000000e+00> : vector<512x1024xf32>
    %dot_general3A_132 = tpu.matmul %convert_element_type3A_130, %get3A_1, %dot_general3A_131 {dimension_numbers = #tpu.dot_dimension_numbers<[1], [0], [0], [1], [0, 0, 1, 1], [], []>, transpose_lhs_hint = false} : vector<512x128xbf16>, vector<128x1024xbf16>, vector<512x1024xf32> -> vector<512x1024xf32>
    %bitcast_convert_type3A_133 = tpu.bitcast %dot_general3A_132 : vector<512x1024xf32> -> vector<512x1024xi32>
    %iota3A_134 = tpu.iota {dimensions = array<i32: 1>} : vector<512x1024xi32>
    %and3A_135 = arith.constant -1024 : i32
    %and3A_136 = vector.broadcast %and3A_135 : i32 to vector<512x1024xi32>
    %and3A_137 = arith.andi %bitcast_convert_type3A_133, %and3A_136 : vector<512x1024xi32>
    %or3A_138 = arith.ori %and3A_137, %iota3A_134 : vector<512x1024xi32>
    %reduce_min3A_139 = arith.constant dense<2147483647> : vector<512xi32>
    %reduce_min3A_140 = vector.multi_reduction <minsi>, %or3A_138, %reduce_min3A_139 [1] : vector<512x1024xi32> to vector<512xi32>
    %broadcast_in_dim3A_141 = vector.shape_cast %reduce_min3A_140 : vector<512xi32> to vector<512x1xi32>
    %and3A_142 = arith.constant 1023 : i32
    %and3A_143 = vector.broadcast %and3A_142 : i32 to vector<512x1xi32>
    %and3A_144 = arith.andi %broadcast_in_dim3A_141, %and3A_143 : vector<512x1xi32>
    %swap3A_145 = arith.constant 2048 : index
    %swap3A_146 = arith.constant 0 : index
    %swap3A_147 = vector.load %arg3[%swap3A_145, %swap3A_146] : memref<8192x1xi32, #tpu.memory_space<vmem>>, vector<512x1xi32>
    tpu.vector_store %arg3[%swap3A_145, %swap3A_146], %and3A_144 {strides = array<i32>} : memref<8192x1xi32, #tpu.memory_space<vmem>>, vector<512x1xi32>,
    %and3A_148 = arith.constant -1024 : i32
    %and3A_149 = vector.broadcast %and3A_148 : i32 to vector<512x1xi32>
    %and3A_150 = arith.andi %broadcast_in_dim3A_141, %and3A_149 : vector<512x1xi32>
    %bitcast_convert_type3A_151 = tpu.bitcast %and3A_150 : vector<512x1xi32> -> vector<512x1xf32>
    %neg3A_152 = arith.constant 0.000000e+00 : f32
    %neg3A_153 = vector.broadcast %neg3A_152 : f32 to vector<512x1xf32>
    %neg3A_154 = arith.subf %neg3A_153, %bitcast_convert_type3A_151 : vector<512x1xf32>
    %max3A_155 = arith.constant 1.00000012 : f32
    %max3A_156 = vector.broadcast %max3A_155 : f32 to vector<512x1xf32>
    %max3A_157 = arith.maximumf %neg3A_154, %max3A_156 : vector<512x1xf32>
    %swap3A_158 = arith.constant 2048 : index
    %swap3A_159 = arith.constant 0 : index
    %swap3A_160 = vector.load %arg4[%swap3A_158, %swap3A_159] : memref<8192x1xf32, #tpu.memory_space<vmem>>, vector<512x1xf32>
    tpu.vector_store %arg4[%swap3A_158, %swap3A_159], %max3A_157 {strides = array<i32>} : memref<8192x1xf32, #tpu.memory_space<vmem>>, vector<512x1xf32>,
    %get3A_161 = arith.constant 2560 : index
    %get3A_162 = arith.constant 0 : index
    %get3A_163 = vector.load %arg1[%get3A_161, %get3A_162] : memref<8192x128xf32, #tpu.memory_space<vmem>>, vector<512x128xf32>
    %convert_element_type3A_164 = arith.truncf %get3A_163 : vector<512x128xf32> to vector<512x128xbf16>
    %dot_general3A_165 = arith.constant dense<0.000000e+00> : vector<512x1024xf32>
    %dot_general3A_166 = tpu.matmul %convert_element_type3A_164, %get3A_1, %dot_general3A_165 {dimension_numbers = #tpu.dot_dimension_numbers<[1], [0], [0], [1], [0, 0, 1, 1], [], []>, transpose_lhs_hint = false} : vector<512x128xbf16>, vector<128x1024xbf16>, vector<512x1024xf32> -> vector<512x1024xf32>
    %bitcast_convert_type3A_167 = tpu.bitcast %dot_general3A_166 : vector<512x1024xf32> -> vector<512x1024xi32>
    %iota3A_168 = tpu.iota {dimensions = array<i32: 1>} : vector<512x1024xi32>
    %and3A_169 = arith.constant -1024 : i32
    %and3A_170 = vector.broadcast %and3A_169 : i32 to vector<512x1024xi32>
    %and3A_171 = arith.andi %bitcast_convert_type3A_167, %and3A_170 : vector<512x1024xi32>
    %or3A_172 = arith.ori %and3A_171, %iota3A_168 : vector<512x1024xi32>
    %reduce_min3A_173 = arith.constant dense<2147483647> : vector<512xi32>
    %reduce_min3A_174 = vector.multi_reduction <minsi>, %or3A_172, %reduce_min3A_173 [1] : vector<512x1024xi32> to vector<512xi32>
    %broadcast_in_dim3A_175 = vector.shape_cast %reduce_min3A_174 : vector<512xi32> to vector<512x1xi32>
    %and3A_176 = arith.constant 1023 : i32
    %and3A_177 = vector.broadcast %and3A_176 : i32 to vector<512x1xi32>
    %and3A_178 = arith.andi %broadcast_in_dim3A_175, %and3A_177 : vector<512x1xi32>
    %swap3A_179 = arith.constant 2560 : index
    %swap3A_180 = arith.constant 0 : index
    %swap3A_181 = vector.load %arg3[%swap3A_179, %swap3A_180] : memref<8192x1xi32, #tpu.memory_space<vmem>>, vector<512x1xi32>
    tpu.vector_store %arg3[%swap3A_179, %swap3A_180], %and3A_178 {strides = array<i32>} : memref<8192x1xi32, #tpu.memory_space<vmem>>, vector<512x1xi32>,
    %and3A_182 = arith.constant -1024 : i32
    %and3A_183 = vector.broadcast %and3A_182 : i32 to vector<512x1xi32>
    %and3A_184 = arith.andi %broadcast_in_dim3A_175, %and3A_183 : vector<512x1xi32>
    %bitcast_convert_type3A_185 = tpu.bitcast %and3A_184 : vector<512x1xi32> -> vector<512x1xf32>
    %neg3A_186 = arith.constant 0.000000e+00 : f32
    %neg3A_187 = vector.broadcast %neg3A_186 : f32 to vector<512x1xf32>
    %neg3A_188 = arith.subf %neg3A_187, %bitcast_convert_type3A_185 : vector<512x1xf32>
    %max3A_189 = arith.constant 1.00000012 : f32
    %max3A_190 = vector.broadcast %max3A_189 : f32 to vector<512x1xf32>
    %max3A_191 = arith.maximumf %neg3A_188, %max3A_190 : vector<512x1xf32>
    %swap3A_192 = arith.constant 2560 : index
    %swap3A_193 = arith.constant 0 : index
    %swap3A_194 = vector.load %arg4[%swap3A_192, %swap3A_193] : memref<8192x1xf32, #tpu.memory_space<vmem>>, vector<512x1xf32>
    tpu.vector_store %arg4[%swap3A_192, %swap3A_193], %max3A_191 {strides = array<i32>} : memref<8192x1xf32, #tpu.memory_space<vmem>>, vector<512x1xf32>,
    %get3A_195 = arith.constant 3072 : index
    %get3A_196 = arith.constant 0 : index
    %get3A_197 = vector.load %arg1[%get3A_195, %get3A_196] : memref<8192x128xf32, #tpu.memory_space<vmem>>, vector<512x128xf32>
    %convert_element_type3A_198 = arith.truncf %get3A_197 : vector<512x128xf32> to vector<512x128xbf16>
    %dot_general3A_199 = arith.constant dense<0.000000e+00> : vector<512x1024xf32>
    %dot_general3A_200 = tpu.matmul %convert_element_type3A_198, %get3A_1, %dot_general3A_199 {dimension_numbers = #tpu.dot_dimension_numbers<[1], [0], [0], [1], [0, 0, 1, 1], [], []>, transpose_lhs_hint = false} : vector<512x128xbf16>, vector<128x1024xbf16>, vector<512x1024xf32> -> vector<512x1024xf32>
    %bitcast_convert_type3A_201 = tpu.bitcast %dot_general3A_200 : vector<512x1024xf32> -> vector<512x1024xi32>
    %iota3A_202 = tpu.iota {dimensions = array<i32: 1>} : vector<512x1024xi32>
    %and3A_203 = arith.constant -1024 : i32
    %and3A_204 = vector.broadcast %and3A_203 : i32 to vector<512x1024xi32>
    %and3A_205 = arith.andi %bitcast_convert_type3A_201, %and3A_204 : vector<512x1024xi32>
    %or3A_206 = arith.ori %and3A_205, %iota3A_202 : vector<512x1024xi32>
    %reduce_min3A_207 = arith.constant dense<2147483647> : vector<512xi32>
    %reduce_min3A_208 = vector.multi_reduction <minsi>, %or3A_206, %reduce_min3A_207 [1] : vector<512x1024xi32> to vector<512xi32>
    %broadcast_in_dim3A_209 = vector.shape_cast %reduce_min3A_208 : vector<512xi32> to vector<512x1xi32>
    %and3A_210 = arith.constant 1023 : i32
    %and3A_211 = vector.broadcast %and3A_210 : i32 to vector<512x1xi32>
    %and3A_212 = arith.andi %broadcast_in_dim3A_209, %and3A_211 : vector<512x1xi32>
    %swap3A_213 = arith.constant 3072 : index
    %swap3A_214 = arith.constant 0 : index
    %swap3A_215 = vector.load %arg3[%swap3A_213, %swap3A_214] : memref<8192x1xi32, #tpu.memory_space<vmem>>, vector<512x1xi32>
    tpu.vector_store %arg3[%swap3A_213, %swap3A_214], %and3A_212 {strides = array<i32>} : memref<8192x1xi32, #tpu.memory_space<vmem>>, vector<512x1xi32>,
    %and3A_216 = arith.constant -1024 : i32
    %and3A_217 = vector.broadcast %and3A_216 : i32 to vector<512x1xi32>
    %and3A_218 = arith.andi %broadcast_in_dim3A_209, %and3A_217 : vector<512x1xi32>
    %bitcast_convert_type3A_219 = tpu.bitcast %and3A_218 : vector<512x1xi32> -> vector<512x1xf32>
    %neg3A_220 = arith.constant 0.000000e+00 : f32
    %neg3A_221 = vector.broadcast %neg3A_220 : f32 to vector<512x1xf32>
    %neg3A_222 = arith.subf %neg3A_221, %bitcast_convert_type3A_219 : vector<512x1xf32>
    %max3A_223 = arith.constant 1.00000012 : f32
    %max3A_224 = vector.broadcast %max3A_223 : f32 to vector<512x1xf32>
    %max3A_225 = arith.maximumf %neg3A_222, %max3A_224 : vector<512x1xf32>
    %swap3A_226 = arith.constant 3072 : index
    %swap3A_227 = arith.constant 0 : index
    %swap3A_228 = vector.load %arg4[%swap3A_226, %swap3A_227] : memref<8192x1xf32, #tpu.memory_space<vmem>>, vector<512x1xf32>
    tpu.vector_store %arg4[%swap3A_226, %swap3A_227], %max3A_225 {strides = array<i32>} : memref<8192x1xf32, #tpu.memory_space<vmem>>, vector<512x1xf32>,
    %get3A_229 = arith.constant 3584 : index
    %get3A_230 = arith.constant 0 : index
    %get3A_231 = vector.load %arg1[%get3A_229, %get3A_230] : memref<8192x128xf32, #tpu.memory_space<vmem>>, vector<512x128xf32>
    %convert_element_type3A_232 = arith.truncf %get3A_231 : vector<512x128xf32> to vector<512x128xbf16>
    %dot_general3A_233 = arith.constant dense<0.000000e+00> : vector<512x1024xf32>
    %dot_general3A_234 = tpu.matmul %convert_element_type3A_232, %get3A_1, %dot_general3A_233 {dimension_numbers = #tpu.dot_dimension_numbers<[1], [0], [0], [1], [0, 0, 1, 1], [], []>, transpose_lhs_hint = false} : vector<512x128xbf16>, vector<128x1024xbf16>, vector<512x1024xf32> -> vector<512x1024xf32>
    %bitcast_convert_type3A_235 = tpu.bitcast %dot_general3A_234 : vector<512x1024xf32> -> vector<512x1024xi32>
    %iota3A_236 = tpu.iota {dimensions = array<i32: 1>} : vector<512x1024xi32>
    %and3A_237 = arith.constant -1024 : i32
    %and3A_238 = vector.broadcast %and3A_237 : i32 to vector<512x1024xi32>
    %and3A_239 = arith.andi %bitcast_convert_type3A_235, %and3A_238 : vector<512x1024xi32>
    %or3A_240 = arith.ori %and3A_239, %iota3A_236 : vector<512x1024xi32>
    %reduce_min3A_241 = arith.constant dense<2147483647> : vector<512xi32>
    %reduce_min3A_242 = vector.multi_reduction <minsi>, %or3A_240, %reduce_min3A_241 [1] : vector<512x1024xi32> to vector<512xi32>
    %broadcast_in_dim3A_243 = vector.shape_cast %reduce_min3A_242 : vector<512xi32> to vector<512x1xi32>
    %and3A_244 = arith.constant 1023 : i32
    %and3A_245 = vector.broadcast %and3A_244 : i32 to vector<512x1xi32>
    %and3A_246 = arith.andi %broadcast_in_dim3A_243, %and3A_245 : vector<512x1xi32>
    %swap3A_247 = arith.constant 3584 : index
    %swap3A_248 = arith.constant 0 : index
    %swap3A_249 = vector.load %arg3[%swap3A_247, %swap3A_248] : memref<8192x1xi32, #tpu.memory_space<vmem>>, vector<512x1xi32>
    tpu.vector_store %arg3[%swap3A_247, %swap3A_248], %and3A_246 {strides = array<i32>} : memref<8192x1xi32, #tpu.memory_space<vmem>>, vector<512x1xi32>,
    %and3A_250 = arith.constant -1024 : i32
    %and3A_251 = vector.broadcast %and3A_250 : i32 to vector<512x1xi32>
    %and3A_252 = arith.andi %broadcast_in_dim3A_243, %and3A_251 : vector<512x1xi32>
    %bitcast_convert_type3A_253 = tpu.bitcast %and3A_252 : vector<512x1xi32> -> vector<512x1xf32>
    %neg3A_254 = arith.constant 0.000000e+00 : f32
    %neg3A_255 = vector.broadcast %neg3A_254 : f32 to vector<512x1xf32>
    %neg3A_256 = arith.subf %neg3A_255, %bitcast_convert_type3A_253 : vector<512x1xf32>
    %max3A_257 = arith.constant 1.00000012 : f32
    %max3A_258 = vector.broadcast %max3A_257 : f32 to vector<512x1xf32>
    %max3A_259 = arith.maximumf %neg3A_256, %max3A_258 : vector<512x1xf32>
    %swap3A_260 = arith.constant 3584 : index
    %swap3A_261 = arith.constant 0 : index
    %swap3A_262 = vector.load %arg4[%swap3A_260, %swap3A_261] : memref<8192x1xf32, #tpu.memory_space<vmem>>, vector<512x1xf32>
    tpu.vector_store %arg4[%swap3A_260, %swap3A_261], %max3A_259 {strides = array<i32>} : memref<8192x1xf32, #tpu.memory_space<vmem>>, vector<512x1xf32>,
    %get3A_263 = arith.constant 4096 : index
    %get3A_264 = arith.constant 0 : index
    %get3A_265 = vector.load %arg1[%get3A_263, %get3A_264] : memref<8192x128xf32, #tpu.memory_space<vmem>>, vector<512x128xf32>
    %convert_element_type3A_266 = arith.truncf %get3A_265 : vector<512x128xf32> to vector<512x128xbf16>
    %dot_general3A_267 = arith.constant dense<0.000000e+00> : vector<512x1024xf32>
    %dot_general3A_268 = tpu.matmul %convert_element_type3A_266, %get3A_1, %dot_general3A_267 {dimension_numbers = #tpu.dot_dimension_numbers<[1], [0], [0], [1], [0, 0, 1, 1], [], []>, transpose_lhs_hint = false} : vector<512x128xbf16>, vector<128x1024xbf16>, vector<512x1024xf32> -> vector<512x1024xf32>
    %bitcast_convert_type3A_269 = tpu.bitcast %dot_general3A_268 : vector<512x1024xf32> -> vector<512x1024xi32>
    %iota3A_270 = tpu.iota {dimensions = array<i32: 1>} : vector<512x1024xi32>
    %and3A_271 = arith.constant -1024 : i32
    %and3A_272 = vector.broadcast %and3A_271 : i32 to vector<512x1024xi32>
    %and3A_273 = arith.andi %bitcast_convert_type3A_269, %and3A_272 : vector<512x1024xi32>
    %or3A_274 = arith.ori %and3A_273, %iota3A_270 : vector<512x1024xi32>
    %reduce_min3A_275 = arith.constant dense<2147483647> : vector<512xi32>
    %reduce_min3A_276 = vector.multi_reduction <minsi>, %or3A_274, %reduce_min3A_275 [1] : vector<512x1024xi32> to vector<512xi32>
    %broadcast_in_dim3A_277 = vector.shape_cast %reduce_min3A_276 : vector<512xi32> to vector<512x1xi32>
    %and3A_278 = arith.constant 1023 : i32
    %and3A_279 = vector.broadcast %and3A_278 : i32 to vector<512x1xi32>
    %and3A_280 = arith.andi %broadcast_in_dim3A_277, %and3A_279 : vector<512x1xi32>
    %swap3A_281 = arith.constant 4096 : index
    %swap3A_282 = arith.constant 0 : index
    %swap3A_283 = vector.load %arg3[%swap3A_281, %swap3A_282] : memref<8192x1xi32, #tpu.memory_space<vmem>>, vector<512x1xi32>
    tpu.vector_store %arg3[%swap3A_281, %swap3A_282], %and3A_280 {strides = array<i32>} : memref<8192x1xi32, #tpu.memory_space<vmem>>, vector<512x1xi32>,
    %and3A_284 = arith.constant -1024 : i32
    %and3A_285 = vector.broadcast %and3A_284 : i32 to vector<512x1xi32>
    %and3A_286 = arith.andi %broadcast_in_dim3A_277, %and3A_285 : vector<512x1xi32>
    %bitcast_convert_type3A_287 = tpu.bitcast %and3A_286 : vector<512x1xi32> -> vector<512x1xf32>
    %neg3A_288 = arith.constant 0.000000e+00 : f32
    %neg3A_289 = vector.broadcast %neg3A_288 : f32 to vector<512x1xf32>
    %neg3A_290 = arith.subf %neg3A_289, %bitcast_convert_type3A_287 : vector<512x1xf32>
    %max3A_291 = arith.constant 1.00000012 : f32
    %max3A_292 = vector.broadcast %max3A_291 : f32 to vector<512x1xf32>
    %max3A_293 = arith.maximumf %neg3A_290, %max3A_292 : vector<512x1xf32>
    %swap3A_294 = arith.constant 4096 : index
    %swap3A_295 = arith.constant 0 : index
    %swap3A_296 = vector.load %arg4[%swap3A_294, %swap3A_295] : memref<8192x1xf32, #tpu.memory_space<vmem>>, vector<512x1xf32>
    tpu.vector_store %arg4[%swap3A_294, %swap3A_295], %max3A_293 {strides = array<i32>} : memref<8192x1xf32, #tpu.memory_space<vmem>>, vector<512x1xf32>,
    %get3A_297 = arith.constant 4608 : index
    %get3A_298 = arith.constant 0 : index
    %get3A_299 = vector.load %arg1[%get3A_297, %get3A_298] : memref<8192x128xf32, #tpu.memory_space<vmem>>, vector<512x128xf32>
    %convert_element_type3A_300 = arith.truncf %get3A_299 : vector<512x128xf32> to vector<512x128xbf16>
    %dot_general3A_301 = arith.constant dense<0.000000e+00> : vector<512x1024xf32>
    %dot_general3A_302 = tpu.matmul %convert_element_type3A_300, %get3A_1, %dot_general3A_301 {dimension_numbers = #tpu.dot_dimension_numbers<[1], [0], [0], [1], [0, 0, 1, 1], [], []>, transpose_lhs_hint = false} : vector<512x128xbf16>, vector<128x1024xbf16>, vector<512x1024xf32> -> vector<512x1024xf32>
    %bitcast_convert_type3A_303 = tpu.bitcast %dot_general3A_302 : vector<512x1024xf32> -> vector<512x1024xi32>
    %iota3A_304 = tpu.iota {dimensions = array<i32: 1>} : vector<512x1024xi32>
    %and3A_305 = arith.constant -1024 : i32
    %and3A_306 = vector.broadcast %and3A_305 : i32 to vector<512x1024xi32>
    %and3A_307 = arith.andi %bitcast_convert_type3A_303, %and3A_306 : vector<512x1024xi32>
    %or3A_308 = arith.ori %and3A_307, %iota3A_304 : vector<512x1024xi32>
    %reduce_min3A_309 = arith.constant dense<2147483647> : vector<512xi32>
    %reduce_min3A_310 = vector.multi_reduction <minsi>, %or3A_308, %reduce_min3A_309 [1] : vector<512x1024xi32> to vector<512xi32>
    %broadcast_in_dim3A_311 = vector.shape_cast %reduce_min3A_310 : vector<512xi32> to vector<512x1xi32>
    %and3A_312 = arith.constant 1023 : i32
    %and3A_313 = vector.broadcast %and3A_312 : i32 to vector<512x1xi32>
    %and3A_314 = arith.andi %broadcast_in_dim3A_311, %and3A_313 : vector<512x1xi32>
    %swap3A_315 = arith.constant 4608 : index
    %swap3A_316 = arith.constant 0 : index
    %swap3A_317 = vector.load %arg3[%swap3A_315, %swap3A_316] : memref<8192x1xi32, #tpu.memory_space<vmem>>, vector<512x1xi32>
    tpu.vector_store %arg3[%swap3A_315, %swap3A_316], %and3A_314 {strides = array<i32>} : memref<8192x1xi32, #tpu.memory_space<vmem>>, vector<512x1xi32>,
    %and3A_318 = arith.constant -1024 : i32
    %and3A_319 = vector.broadcast %and3A_318 : i32 to vector<512x1xi32>
    %and3A_320 = arith.andi %broadcast_in_dim3A_311, %and3A_319 : vector<512x1xi32>
    %bitcast_convert_type3A_321 = tpu.bitcast %and3A_320 : vector<512x1xi32> -> vector<512x1xf32>
    %neg3A_322 = arith.constant 0.000000e+00 : f32
    %neg3A_323 = vector.broadcast %neg3A_322 : f32 to vector<512x1xf32>
    %neg3A_324 = arith.subf %neg3A_323, %bitcast_convert_type3A_321 : vector<512x1xf32>
    %max3A_325 = arith.constant 1.00000012 : f32
    %max3A_326 = vector.broadcast %max3A_325 : f32 to vector<512x1xf32>
    %max3A_327 = arith.maximumf %neg3A_324, %max3A_326 : vector<512x1xf32>
    %swap3A_328 = arith.constant 4608 : index
    %swap3A_329 = arith.constant 0 : index
    %swap3A_330 = vector.load %arg4[%swap3A_328, %swap3A_329] : memref<8192x1xf32, #tpu.memory_space<vmem>>, vector<512x1xf32>
    tpu.vector_store %arg4[%swap3A_328, %swap3A_329], %max3A_327 {strides = array<i32>} : memref<8192x1xf32, #tpu.memory_space<vmem>>, vector<512x1xf32>,
    %get3A_331 = arith.constant 5120 : index
    %get3A_332 = arith.constant 0 : index
    %get3A_333 = vector.load %arg1[%get3A_331, %get3A_332] : memref<8192x128xf32, #tpu.memory_space<vmem>>, vector<512x128xf32>
    %convert_element_type3A_334 = arith.truncf %get3A_333 : vector<512x128xf32> to vector<512x128xbf16>
    %dot_general3A_335 = arith.constant dense<0.000000e+00> : vector<512x1024xf32>
    %dot_general3A_336 = tpu.matmul %convert_element_type3A_334, %get3A_1, %dot_general3A_335 {dimension_numbers = #tpu.dot_dimension_numbers<[1], [0], [0], [1], [0, 0, 1, 1], [], []>, transpose_lhs_hint = false} : vector<512x128xbf16>, vector<128x1024xbf16>, vector<512x1024xf32> -> vector<512x1024xf32>
    %bitcast_convert_type3A_337 = tpu.bitcast %dot_general3A_336 : vector<512x1024xf32> -> vector<512x1024xi32>
    %iota3A_338 = tpu.iota {dimensions = array<i32: 1>} : vector<512x1024xi32>
    %and3A_339 = arith.constant -1024 : i32
    %and3A_340 = vector.broadcast %and3A_339 : i32 to vector<512x1024xi32>
    %and3A_341 = arith.andi %bitcast_convert_type3A_337, %and3A_340 : vector<512x1024xi32>
    %or3A_342 = arith.ori %and3A_341, %iota3A_338 : vector<512x1024xi32>
    %reduce_min3A_343 = arith.constant dense<2147483647> : vector<512xi32>
    %reduce_min3A_344 = vector.multi_reduction <minsi>, %or3A_342, %reduce_min3A_343 [1] : vector<512x1024xi32> to vector<512xi32>
    %broadcast_in_dim3A_345 = vector.shape_cast %reduce_min3A_344 : vector<512xi32> to vector<512x1xi32>
    %and3A_346 = arith.constant 1023 : i32
    %and3A_347 = vector.broadcast %and3A_346 : i32 to vector<512x1xi32>
    %and3A_348 = arith.andi %broadcast_in_dim3A_345, %and3A_347 : vector<512x1xi32>
    %swap3A_349 = arith.constant 5120 : index
    %swap3A_350 = arith.constant 0 : index
    %swap3A_351 = vector.load %arg3[%swap3A_349, %swap3A_350] : memref<8192x1xi32, #tpu.memory_space<vmem>>, vector<512x1xi32>
    tpu.vector_store %arg3[%swap3A_349, %swap3A_350], %and3A_348 {strides = array<i32>} : memref<8192x1xi32, #tpu.memory_space<vmem>>, vector<512x1xi32>,
    %and3A_352 = arith.constant -1024 : i32
    %and3A_353 = vector.broadcast %and3A_352 : i32 to vector<512x1xi32>
    %and3A_354 = arith.andi %broadcast_in_dim3A_345, %and3A_353 : vector<512x1xi32>
    %bitcast_convert_type3A_355 = tpu.bitcast %and3A_354 : vector<512x1xi32> -> vector<512x1xf32>
    %neg3A_356 = arith.constant 0.000000e+00 : f32
    %neg3A_357 = vector.broadcast %neg3A_356 : f32 to vector<512x1xf32>
    %neg3A_358 = arith.subf %neg3A_357, %bitcast_convert_type3A_355 : vector<512x1xf32>
    %max3A_359 = arith.constant 1.00000012 : f32
    %max3A_360 = vector.broadcast %max3A_359 : f32 to vector<512x1xf32>
    %max3A_361 = arith.maximumf %neg3A_358, %max3A_360 : vector<512x1xf32>
    %swap3A_362 = arith.constant 5120 : index
    %swap3A_363 = arith.constant 0 : index
    %swap3A_364 = vector.load %arg4[%swap3A_362, %swap3A_363] : memref<8192x1xf32, #tpu.memory_space<vmem>>, vector<512x1xf32>
    tpu.vector_store %arg4[%swap3A_362, %swap3A_363], %max3A_361 {strides = array<i32>} : memref<8192x1xf32, #tpu.memory_space<vmem>>, vector<512x1xf32>,
    %get3A_365 = arith.constant 5632 : index
    %get3A_366 = arith.constant 0 : index
    %get3A_367 = vector.load %arg1[%get3A_365, %get3A_366] : memref<8192x128xf32, #tpu.memory_space<vmem>>, vector<512x128xf32>
    %convert_element_type3A_368 = arith.truncf %get3A_367 : vector<512x128xf32> to vector<512x128xbf16>
    %dot_general3A_369 = arith.constant dense<0.000000e+00> : vector<512x1024xf32>
    %dot_general3A_370 = tpu.matmul %convert_element_type3A_368, %get3A_1, %dot_general3A_369 {dimension_numbers = #tpu.dot_dimension_numbers<[1], [0], [0], [1], [0, 0, 1, 1], [], []>, transpose_lhs_hint = false} : vector<512x128xbf16>, vector<128x1024xbf16>, vector<512x1024xf32> -> vector<512x1024xf32>
    %bitcast_convert_type3A_371 = tpu.bitcast %dot_general3A_370 : vector<512x1024xf32> -> vector<512x1024xi32>
    %iota3A_372 = tpu.iota {dimensions = array<i32: 1>} : vector<512x1024xi32>
    %and3A_373 = arith.constant -1024 : i32
    %and3A_374 = vector.broadcast %and3A_373 : i32 to vector<512x1024xi32>
    %and3A_375 = arith.andi %bitcast_convert_type3A_371, %and3A_374 : vector<512x1024xi32>
    %or3A_376 = arith.ori %and3A_375, %iota3A_372 : vector<512x1024xi32>
    %reduce_min3A_377 = arith.constant dense<2147483647> : vector<512xi32>
    %reduce_min3A_378 = vector.multi_reduction <minsi>, %or3A_376, %reduce_min3A_377 [1] : vector<512x1024xi32> to vector<512xi32>
    %broadcast_in_dim3A_379 = vector.shape_cast %reduce_min3A_378 : vector<512xi32> to vector<512x1xi32>
    %and3A_380 = arith.constant 1023 : i32
    %and3A_381 = vector.broadcast %and3A_380 : i32 to vector<512x1xi32>
    %and3A_382 = arith.andi %broadcast_in_dim3A_379, %and3A_381 : vector<512x1xi32>
    %swap3A_383 = arith.constant 5632 : index
    %swap3A_384 = arith.constant 0 : index
    %swap3A_385 = vector.load %arg3[%swap3A_383, %swap3A_384] : memref<8192x1xi32, #tpu.memory_space<vmem>>, vector<512x1xi32>
    tpu.vector_store %arg3[%swap3A_383, %swap3A_384], %and3A_382 {strides = array<i32>} : memref<8192x1xi32, #tpu.memory_space<vmem>>, vector<512x1xi32>,
    %and3A_386 = arith.constant -1024 : i32
    %and3A_387 = vector.broadcast %and3A_386 : i32 to vector<512x1xi32>
    %and3A_388 = arith.andi %broadcast_in_dim3A_379, %and3A_387 : vector<512x1xi32>
    %bitcast_convert_type3A_389 = tpu.bitcast %and3A_388 : vector<512x1xi32> -> vector<512x1xf32>
    %neg3A_390 = arith.constant 0.000000e+00 : f32
    %neg3A_391 = vector.broadcast %neg3A_390 : f32 to vector<512x1xf32>
    %neg3A_392 = arith.subf %neg3A_391, %bitcast_convert_type3A_389 : vector<512x1xf32>
    %max3A_393 = arith.constant 1.00000012 : f32
    %max3A_394 = vector.broadcast %max3A_393 : f32 to vector<512x1xf32>
    %max3A_395 = arith.maximumf %neg3A_392, %max3A_394 : vector<512x1xf32>
    %swap3A_396 = arith.constant 5632 : index
    %swap3A_397 = arith.constant 0 : index
    %swap3A_398 = vector.load %arg4[%swap3A_396, %swap3A_397] : memref<8192x1xf32, #tpu.memory_space<vmem>>, vector<512x1xf32>
    tpu.vector_store %arg4[%swap3A_396, %swap3A_397], %max3A_395 {strides = array<i32>} : memref<8192x1xf32, #tpu.memory_space<vmem>>, vector<512x1xf32>,
    %get3A_399 = arith.constant 6144 : index
    %get3A_400 = arith.constant 0 : index
    %get3A_401 = vector.load %arg1[%get3A_399, %get3A_400] : memref<8192x128xf32, #tpu.memory_space<vmem>>, vector<512x128xf32>
    %convert_element_type3A_402 = arith.truncf %get3A_401 : vector<512x128xf32> to vector<512x128xbf16>
    %dot_general3A_403 = arith.constant dense<0.000000e+00> : vector<512x1024xf32>
    %dot_general3A_404 = tpu.matmul %convert_element_type3A_402, %get3A_1, %dot_general3A_403 {dimension_numbers = #tpu.dot_dimension_numbers<[1], [0], [0], [1], [0, 0, 1, 1], [], []>, transpose_lhs_hint = false} : vector<512x128xbf16>, vector<128x1024xbf16>, vector<512x1024xf32> -> vector<512x1024xf32>
    %bitcast_convert_type3A_405 = tpu.bitcast %dot_general3A_404 : vector<512x1024xf32> -> vector<512x1024xi32>
    %iota3A_406 = tpu.iota {dimensions = array<i32: 1>} : vector<512x1024xi32>
    %and3A_407 = arith.constant -1024 : i32
    %and3A_408 = vector.broadcast %and3A_407 : i32 to vector<512x1024xi32>
    %and3A_409 = arith.andi %bitcast_convert_type3A_405, %and3A_408 : vector<512x1024xi32>
    %or3A_410 = arith.ori %and3A_409, %iota3A_406 : vector<512x1024xi32>
    %reduce_min3A_411 = arith.constant dense<2147483647> : vector<512xi32>
    %reduce_min3A_412 = vector.multi_reduction <minsi>, %or3A_410, %reduce_min3A_411 [1] : vector<512x1024xi32> to vector<512xi32>
    %broadcast_in_dim3A_413 = vector.shape_cast %reduce_min3A_412 : vector<512xi32> to vector<512x1xi32>
    %and3A_414 = arith.constant 1023 : i32
    %and3A_415 = vector.broadcast %and3A_414 : i32 to vector<512x1xi32>
    %and3A_416 = arith.andi %broadcast_in_dim3A_413, %and3A_415 : vector<512x1xi32>
    %swap3A_417 = arith.constant 6144 : index
    %swap3A_418 = arith.constant 0 : index
    %swap3A_419 = vector.load %arg3[%swap3A_417, %swap3A_418] : memref<8192x1xi32, #tpu.memory_space<vmem>>, vector<512x1xi32>
    tpu.vector_store %arg3[%swap3A_417, %swap3A_418], %and3A_416 {strides = array<i32>} : memref<8192x1xi32, #tpu.memory_space<vmem>>, vector<512x1xi32>,
    %and3A_420 = arith.constant -1024 : i32
    %and3A_421 = vector.broadcast %and3A_420 : i32 to vector<512x1xi32>
    %and3A_422 = arith.andi %broadcast_in_dim3A_413, %and3A_421 : vector<512x1xi32>
    %bitcast_convert_type3A_423 = tpu.bitcast %and3A_422 : vector<512x1xi32> -> vector<512x1xf32>
    %neg3A_424 = arith.constant 0.000000e+00 : f32
    %neg3A_425 = vector.broadcast %neg3A_424 : f32 to vector<512x1xf32>
    %neg3A_426 = arith.subf %neg3A_425, %bitcast_convert_type3A_423 : vector<512x1xf32>
    %max3A_427 = arith.constant 1.00000012 : f32
    %max3A_428 = vector.broadcast %max3A_427 : f32 to vector<512x1xf32>
    %max3A_429 = arith.maximumf %neg3A_426, %max3A_428 : vector<512x1xf32>
    %swap3A_430 = arith.constant 6144 : index
    %swap3A_431 = arith.constant 0 : index
    %swap3A_432 = vector.load %arg4[%swap3A_430, %swap3A_431] : memref<8192x1xf32, #tpu.memory_space<vmem>>, vector<512x1xf32>
    tpu.vector_store %arg4[%swap3A_430, %swap3A_431], %max3A_429 {strides = array<i32>} : memref<8192x1xf32, #tpu.memory_space<vmem>>, vector<512x1xf32>,
    %get3A_433 = arith.constant 6656 : index
    %get3A_434 = arith.constant 0 : index
    %get3A_435 = vector.load %arg1[%get3A_433, %get3A_434] : memref<8192x128xf32, #tpu.memory_space<vmem>>, vector<512x128xf32>
    %convert_element_type3A_436 = arith.truncf %get3A_435 : vector<512x128xf32> to vector<512x128xbf16>
    %dot_general3A_437 = arith.constant dense<0.000000e+00> : vector<512x1024xf32>
    %dot_general3A_438 = tpu.matmul %convert_element_type3A_436, %get3A_1, %dot_general3A_437 {dimension_numbers = #tpu.dot_dimension_numbers<[1], [0], [0], [1], [0, 0, 1, 1], [], []>, transpose_lhs_hint = false} : vector<512x128xbf16>, vector<128x1024xbf16>, vector<512x1024xf32> -> vector<512x1024xf32>
    %bitcast_convert_type3A_439 = tpu.bitcast %dot_general3A_438 : vector<512x1024xf32> -> vector<512x1024xi32>
    %iota3A_440 = tpu.iota {dimensions = array<i32: 1>} : vector<512x1024xi32>
    %and3A_441 = arith.constant -1024 : i32
    %and3A_442 = vector.broadcast %and3A_441 : i32 to vector<512x1024xi32>
    %and3A_443 = arith.andi %bitcast_convert_type3A_439, %and3A_442 : vector<512x1024xi32>
    %or3A_444 = arith.ori %and3A_443, %iota3A_440 : vector<512x1024xi32>
    %reduce_min3A_445 = arith.constant dense<2147483647> : vector<512xi32>
    %reduce_min3A_446 = vector.multi_reduction <minsi>, %or3A_444, %reduce_min3A_445 [1] : vector<512x1024xi32> to vector<512xi32>
    %broadcast_in_dim3A_447 = vector.shape_cast %reduce_min3A_446 : vector<512xi32> to vector<512x1xi32>
    %and3A_448 = arith.constant 1023 : i32
    %and3A_449 = vector.broadcast %and3A_448 : i32 to vector<512x1xi32>
    %and3A_450 = arith.andi %broadcast_in_dim3A_447, %and3A_449 : vector<512x1xi32>
    %swap3A_451 = arith.constant 6656 : index
    %swap3A_452 = arith.constant 0 : index
    %swap3A_453 = vector.load %arg3[%swap3A_451, %swap3A_452] : memref<8192x1xi32, #tpu.memory_space<vmem>>, vector<512x1xi32>
    tpu.vector_store %arg3[%swap3A_451, %swap3A_452], %and3A_450 {strides = array<i32>} : memref<8192x1xi32, #tpu.memory_space<vmem>>, vector<512x1xi32>,
    %and3A_454 = arith.constant -1024 : i32
    %and3A_455 = vector.broadcast %and3A_454 : i32 to vector<512x1xi32>
    %and3A_456 = arith.andi %broadcast_in_dim3A_447, %and3A_455 : vector<512x1xi32>
    %bitcast_convert_type3A_457 = tpu.bitcast %and3A_456 : vector<512x1xi32> -> vector<512x1xf32>
    %neg3A_458 = arith.constant 0.000000e+00 : f32
    %neg3A_459 = vector.broadcast %neg3A_458 : f32 to vector<512x1xf32>
    %neg3A_460 = arith.subf %neg3A_459, %bitcast_convert_type3A_457 : vector<512x1xf32>
    %max3A_461 = arith.constant 1.00000012 : f32
    %max3A_462 = vector.broadcast %max3A_461 : f32 to vector<512x1xf32>
    %max3A_463 = arith.maximumf %neg3A_460, %max3A_462 : vector<512x1xf32>
    %swap3A_464 = arith.constant 6656 : index
    %swap3A_465 = arith.constant 0 : index
    %swap3A_466 = vector.load %arg4[%swap3A_464, %swap3A_465] : memref<8192x1xf32, #tpu.memory_space<vmem>>, vector<512x1xf32>
    tpu.vector_store %arg4[%swap3A_464, %swap3A_465], %max3A_463 {strides = array<i32>} : memref<8192x1xf32, #tpu.memory_space<vmem>>, vector<512x1xf32>,
    %get3A_467 = arith.constant 7168 : index
    %get3A_468 = arith.constant 0 : index
    %get3A_469 = vector.load %arg1[%get3A_467, %get3A_468] : memref<8192x128xf32, #tpu.memory_space<vmem>>, vector<512x128xf32>
    %convert_element_type3A_470 = arith.truncf %get3A_469 : vector<512x128xf32> to vector<512x128xbf16>
    %dot_general3A_471 = arith.constant dense<0.000000e+00> : vector<512x1024xf32>
    %dot_general3A_472 = tpu.matmul %convert_element_type3A_470, %get3A_1, %dot_general3A_471 {dimension_numbers = #tpu.dot_dimension_numbers<[1], [0], [0], [1], [0, 0, 1, 1], [], []>, transpose_lhs_hint = false} : vector<512x128xbf16>, vector<128x1024xbf16>, vector<512x1024xf32> -> vector<512x1024xf32>
    %bitcast_convert_type3A_473 = tpu.bitcast %dot_general3A_472 : vector<512x1024xf32> -> vector<512x1024xi32>
    %iota3A_474 = tpu.iota {dimensions = array<i32: 1>} : vector<512x1024xi32>
    %and3A_475 = arith.constant -1024 : i32
    %and3A_476 = vector.broadcast %and3A_475 : i32 to vector<512x1024xi32>
    %and3A_477 = arith.andi %bitcast_convert_type3A_473, %and3A_476 : vector<512x1024xi32>
    %or3A_478 = arith.ori %and3A_477, %iota3A_474 : vector<512x1024xi32>
    %reduce_min3A_479 = arith.constant dense<2147483647> : vector<512xi32>
    %reduce_min3A_480 = vector.multi_reduction <minsi>, %or3A_478, %reduce_min3A_479 [1] : vector<512x1024xi32> to vector<512xi32>
    %broadcast_in_dim3A_481 = vector.shape_cast %reduce_min3A_480 : vector<512xi32> to vector<512x1xi32>
    %and3A_482 = arith.constant 1023 : i32
    %and3A_483 = vector.broadcast %and3A_482 : i32 to vector<512x1xi32>
    %and3A_484 = arith.andi %broadcast_in_dim3A_481, %and3A_483 : vector<512x1xi32>
    %swap3A_485 = arith.constant 7168 : index
    %swap3A_486 = arith.constant 0 : index
    %swap3A_487 = vector.load %arg3[%swap3A_485, %swap3A_486] : memref<8192x1xi32, #tpu.memory_space<vmem>>, vector<512x1xi32>
    tpu.vector_store %arg3[%swap3A_485, %swap3A_486], %and3A_484 {strides = array<i32>} : memref<8192x1xi32, #tpu.memory_space<vmem>>, vector<512x1xi32>,
    %and3A_488 = arith.constant -1024 : i32
    %and3A_489 = vector.broadcast %and3A_488 : i32 to vector<512x1xi32>
    %and3A_490 = arith.andi %broadcast_in_dim3A_481, %and3A_489 : vector<512x1xi32>
    %bitcast_convert_type3A_491 = tpu.bitcast %and3A_490 : vector<512x1xi32> -> vector<512x1xf32>
    %neg3A_492 = arith.constant 0.000000e+00 : f32
    %neg3A_493 = vector.broadcast %neg3A_492 : f32 to vector<512x1xf32>
    %neg3A_494 = arith.subf %neg3A_493, %bitcast_convert_type3A_491 : vector<512x1xf32>
    %max3A_495 = arith.constant 1.00000012 : f32
    %max3A_496 = vector.broadcast %max3A_495 : f32 to vector<512x1xf32>
    %max3A_497 = arith.maximumf %neg3A_494, %max3A_496 : vector<512x1xf32>
    %swap3A_498 = arith.constant 7168 : index
    %swap3A_499 = arith.constant 0 : index
    %swap3A_500 = vector.load %arg4[%swap3A_498, %swap3A_499] : memref<8192x1xf32, #tpu.memory_space<vmem>>, vector<512x1xf32>
    tpu.vector_store %arg4[%swap3A_498, %swap3A_499], %max3A_497 {strides = array<i32>} : memref<8192x1xf32, #tpu.memory_space<vmem>>, vector<512x1xf32>,
    %get3A_501 = arith.constant 7680 : index
    %get3A_502 = arith.constant 0 : index
    %get3A_503 = vector.load %arg1[%get3A_501, %get3A_502] : memref<8192x128xf32, #tpu.memory_space<vmem>>, vector<512x128xf32>
    %convert_element_type3A_504 = arith.truncf %get3A_503 : vector<512x128xf32> to vector<512x128xbf16>
    %dot_general3A_505 = arith.constant dense<0.000000e+00> : vector<512x1024xf32>
    %dot_general3A_506 = tpu.matmul %convert_element_type3A_504, %get3A_1, %dot_general3A_505 {dimension_numbers = #tpu.dot_dimension_numbers<[1], [0], [0], [1], [0, 0, 1, 1], [], []>, transpose_lhs_hint = false} : vector<512x128xbf16>, vector<128x1024xbf16>, vector<512x1024xf32> -> vector<512x1024xf32>
    %bitcast_convert_type3A_507 = tpu.bitcast %dot_general3A_506 : vector<512x1024xf32> -> vector<512x1024xi32>
    %iota3A_508 = tpu.iota {dimensions = array<i32: 1>} : vector<512x1024xi32>
    %and3A_509 = arith.constant -1024 : i32
    %and3A_510 = vector.broadcast %and3A_509 : i32 to vector<512x1024xi32>
    %and3A_511 = arith.andi %bitcast_convert_type3A_507, %and3A_510 : vector<512x1024xi32>
    %or3A_512 = arith.ori %and3A_511, %iota3A_508 : vector<512x1024xi32>
    %reduce_min3A_513 = arith.constant dense<2147483647> : vector<512xi32>
    %reduce_min3A_514 = vector.multi_reduction <minsi>, %or3A_512, %reduce_min3A_513 [1] : vector<512x1024xi32> to vector<512xi32>
    %broadcast_in_dim3A_515 = vector.shape_cast %reduce_min3A_514 : vector<512xi32> to vector<512x1xi32>
    %and3A_516 = arith.constant 1023 : i32
    %and3A_517 = vector.broadcast %and3A_516 : i32 to vector<512x1xi32>
    %and3A_518 = arith.andi %broadcast_in_dim3A_515, %and3A_517 : vector<512x1xi32>
    %swap3A_519 = arith.constant 7680 : index
    %swap3A_520 = arith.constant 0 : index
    %swap3A_521 = vector.load %arg3[%swap3A_519, %swap3A_520] : memref<8192x1xi32, #tpu.memory_space<vmem>>, vector<512x1xi32>
    tpu.vector_store %arg3[%swap3A_519, %swap3A_520], %and3A_518 {strides = array<i32>} : memref<8192x1xi32, #tpu.memory_space<vmem>>, vector<512x1xi32>,
    %and3A_522 = arith.constant -1024 : i32
    %and3A_523 = vector.broadcast %and3A_522 : i32 to vector<512x1xi32>
    %and3A_524 = arith.andi %broadcast_in_dim3A_515, %and3A_523 : vector<512x1xi32>
    %bitcast_convert_type3A_525 = tpu.bitcast %and3A_524 : vector<512x1xi32> -> vector<512x1xf32>
    %neg3A_526 = arith.constant 0.000000e+00 : f32
    %neg3A_527 = vector.broadcast %neg3A_526 : f32 to vector<512x1xf32>
    %neg3A_528 = arith.subf %neg3A_527, %bitcast_convert_type3A_525 : vector<512x1xf32>
    %max3A_529 = arith.constant 1.00000012 : f32
    %max3A_530 = vector.broadcast %max3A_529 : f32 to vector<512x1xf32>
    %max3A_531 = arith.maximumf %neg3A_528, %max3A_530 : vector<512x1xf32>
    %swap3A_532 = arith.constant 7680 : index
    %swap3A_533 = arith.constant 0 : index
    %swap3A_534 = vector.load %arg4[%swap3A_532, %swap3A_533] : memref<8192x1xf32, #tpu.memory_space<vmem>>, vector<512x1xf32>
    tpu.vector_store %arg4[%swap3A_532, %swap3A_533], %max3A_531 {strides = array<i32>} : memref<8192x1xf32, #tpu.memory_space<vmem>>, vector<512x1xf32>,
    return
  }
  func.func @transform_0(%arg0: i32) -> (i32, i32) {
    %c0_i32 = arith.constant 0 : i32
    %c0_i32_0 = arith.constant 0 : i32
    return %arg0, %c0_i32 : i32, i32
  }
  func.func @transform_1(%arg0: i32) -> (i32, i32) {
    %c0_i32 = arith.constant 0 : i32
    %c0_i32_0 = arith.constant 0 : i32
    %c0_i32_1 = arith.constant 0 : i32
    return %c0_i32, %c0_i32_0 : i32, i32
  }
  func.func @transform_2(%arg0: i32) -> (i32, i32) {
    %c0_i32 = arith.constant 0 : i32
    %c0_i32_0 = arith.constant 0 : i32
    return %arg0, %c0_i32 : i32, i32
  }
  func.func @transform_3(%arg0: i32) -> (i32, i32) {
    %c0_i32 = arith.constant 0 : i32
    %c0_i32_0 = arith.constant 0 : i32
    return %arg0, %c0_i32 : i32, i32
  }
}

module attributes {stable_mosaic.version = 14 : i64} {
  func.func @_map_kernel(%arg0: i32, %arg1: memref<2048x128xf32, #tpu.memory_space<vmem>>, %arg2: memref<2048x128xf32, #tpu.memory_space<vmem>>, %arg3: memref<2048x1xf32, #tpu.memory_space<vmem>>, %arg4: memref<2048x128xf32, #tpu.memory_space<vmem>>) attributes {dimension_semantics = [#tpu.dimension_semantics<arbitrary>], iteration_bounds = array<i64: 8>, scalar_prefetch = 0 : i64, scratch_operands = 0 : i64, tpu.core_type = #tpu.core_type<tc>, window_params = [{transform_indices = @transform_0, window_bounds = array<i64: 2048, 128>}, {transform_indices = @transform_1, window_bounds = array<i64: 2048, 128>}, {transform_indices = @transform_2, window_bounds = array<i64: 2048, 1>}, {transform_indices = @transform_3, window_bounds = array<i64: 2048, 128>}]} {
    %get3A = arith.constant 0 : index
    %get3A_0 = arith.constant 0 : index
    %get3A_1 = vector.load %arg1[%get3A, %get3A_0] : memref<2048x128xf32, #tpu.memory_space<vmem>>, vector<2048x128xf32>
    %get3A_2 = arith.constant 0 : index
    %get3A_3 = arith.constant 0 : index
    %get3A_4 = vector.load %arg2[%get3A_2, %get3A_3] : memref<2048x128xf32, #tpu.memory_space<vmem>>, vector<2048x128xf32>
    %get3A_5 = arith.constant 0 : index
    %get3A_6 = arith.constant 0 : index
    %get3A_7 = vector.load %arg3[%get3A_5, %get3A_6] : memref<2048x1xf32, #tpu.memory_space<vmem>>, vector<2048x1xf32>
    %mul3A = arith.mulf %get3A_7, %get3A_7 : vector<2048x1xf32>
    %sub3A = arith.constant 1.000000e+00 : f32
    %sub3A_8 = vector.broadcast %sub3A : f32 to vector<2048x1xf32>
    %sub3A_9 = arith.subf %mul3A, %sub3A_8 : vector<2048x1xf32>
    %max3A = arith.constant 9.99999996E-13 : f32
    %max3A_10 = vector.broadcast %max3A : f32 to vector<2048x1xf32>
    %max3A_11 = arith.maximumf %sub3A_9, %max3A_10 : vector<2048x1xf32>
    %sqrt3A = math.sqrt %max3A_11 : vector<2048x1xf32>
    %add3A = arith.addf %get3A_7, %sqrt3A : vector<2048x1xf32>
    %log3A = math.log %add3A : vector<2048x1xf32>
    %mul3A_12 = arith.constant 1.000000e-01 : f32
    %mul3A_13 = vector.broadcast %mul3A_12 : f32 to vector<2048x1xf32>
    %mul3A_14 = arith.mulf %mul3A_13, %log3A : vector<2048x1xf32>
    %exp3A = math.exp %mul3A_14 : vector<2048x1xf32>
    %div3A = arith.constant 1.000000e+00 : f32
    %div3A_15 = vector.broadcast %div3A : f32 to vector<2048x1xf32>
    %div3A_16 = arith.divf %div3A_15, %exp3A : vector<2048x1xf32>
    %sub3A_17 = arith.subf %exp3A, %div3A_16 : vector<2048x1xf32>
    %mul3A_18 = arith.constant 5.000000e-01 : f32
    %mul3A_19 = vector.broadcast %mul3A_18 : f32 to vector<2048x1xf32>
    %mul3A_20 = arith.mulf %mul3A_19, %sub3A_17 : vector<2048x1xf32>
    %div3A_21 = arith.divf %mul3A_20, %sqrt3A : vector<2048x1xf32>
    %add3A_22 = arith.addf %exp3A, %div3A_16 : vector<2048x1xf32>
    %mul3A_23 = arith.constant 5.000000e-01 : f32
    %mul3A_24 = vector.broadcast %mul3A_23 : f32 to vector<2048x1xf32>
    %mul3A_25 = arith.mulf %mul3A_24, %add3A_22 : vector<2048x1xf32>
    %mul3A_26 = arith.mulf %div3A_21, %get3A_7 : vector<2048x1xf32>
    %sub3A_27 = arith.subf %mul3A_25, %mul3A_26 : vector<2048x1xf32>
    %mul3A_28 = vector.broadcast %sub3A_27 : vector<2048x1xf32> to vector<2048x128xf32>
    %mul3A_29 = arith.mulf %mul3A_28, %get3A_1 : vector<2048x128xf32>
    %mul3A_30 = vector.broadcast %div3A_21 : vector<2048x1xf32> to vector<2048x128xf32>
    %mul3A_31 = arith.mulf %mul3A_30, %get3A_4 : vector<2048x128xf32>
    %add3A_32 = arith.addf %mul3A_29, %mul3A_31 : vector<2048x128xf32>
    %swap3A = arith.constant 0 : index
    %swap3A_33 = arith.constant 0 : index
    %swap3A_34 = vector.load %arg4[%swap3A, %swap3A_33] : memref<2048x128xf32, #tpu.memory_space<vmem>>, vector<2048x128xf32>
    tpu.vector_store %arg4[%swap3A, %swap3A_33], %add3A_32 {strides = array<i32>} : memref<2048x128xf32, #tpu.memory_space<vmem>>, vector<2048x128xf32>,
    return
  }
  func.func @transform_0(%arg0: i32) -> (i32, i32) {
    %c0_i32 = arith.constant 0 : i32
    %c0_i32_0 = arith.constant 0 : i32
    return %arg0, %c0_i32 : i32, i32
  }
  func.func @transform_1(%arg0: i32) -> (i32, i32) {
    %c0_i32 = arith.constant 0 : i32
    %c0_i32_0 = arith.constant 0 : i32
    return %arg0, %c0_i32 : i32, i32
  }
  func.func @transform_2(%arg0: i32) -> (i32, i32) {
    %c0_i32 = arith.constant 0 : i32
    %c0_i32_0 = arith.constant 0 : i32
    return %arg0, %c0_i32 : i32, i32
  }
  func.func @transform_3(%arg0: i32) -> (i32, i32) {
    %c0_i32 = arith.constant 0 : i32
    %c0_i32_0 = arith.constant 0 : i32
    return %arg0, %c0_i32 : i32, i32
  }
}

</mosaic_0001>

<sc_bundles>
// kernel: kernel.6.cloned.1.call-start
scs
__scs_entry_jumppad:
0x0: {  	(pc) =	sbr.rel $0x88, $3  }
0x1: {  	(tag) =	ssettag $0x0;
	lr =	simm.s32 $0x1  }
0x2: {  	[smem:$0x3F9F] =	sst lr;
	_ =	strace $0xD0000000  }
0x3: {  	_ = 	snop  }
0x4: {  	_ = 	snop  }
0x5: {  	_ = 	snop  }
0x6: {  	_ = 	snop  }
0x7: {  	_ = 	snop  }
__scs_overlays_trampoline_lowered:
0x8: {  	[smem:$0x3FAE] =	sst s0  }
0x9: {  	[smem:$0x3FAF] =	sst s1  }
0xa: {  	[smem:$0x3FB0] =	sst s2  }
0xb: {  	[smem:$0x3FB1] =	sst s3  }
0xc: {  	[smem:$0x3FB2] =	sst s4  }
0xd: {  	[smem:$0x3FB3] =	sst s5  }
0xe: {  	[smem:$0x3FB4] =	sst s6  }
0xf: {  	[smem:$0x3FB5] =	sst s7  }
0x10: {  	[smem:$0x3FB6] =	sst s8  }
0x11: {  	[smem:$0x3FB7] =	sst s9;
	s0 =	simm.s32 @!p0 $0x0  }
0x12: {  	s1 =	sld [smem:$0x3F9D];
	s0 =	simm.s32 @p0 $0x1  }
0x13: {  	[smem:$0x3FB8] =	sst s0;
	s0 =	simm.s32 @!p1 $0x0  }
0x14: {  	s2 =	sld [smem:$0x3F9C];
	s0 =	simm.s32 @p1 $0x1  }
0x15: {  	[smem:$0x3FB9] =	sst s0;
	s0 =	simm.s32 @!p2 $0x0  }
0x16: {  	s3 =	sld [smem:$0x3FDB];
	s0 =	simm.s32 @p2 $0x1  }
0x17: {  	s4 =	simm.s32 $0x1BF5;
	[smem:$0x3FBB] =	sst s0  }
0x18: {  	s0 =	sld [smem:$0x3F9E];
	_ =	swait.ge [sflag:s4], $0x0  }
0x19: {  	s7 =	sld [smem:$0x3F9F]  }
0x1a: {  	s8 =	sadd.s32 $0xFFFFE003, lr  }
0x1b: {  	s9 =	sadd.s32 $0xFFFFFEF7, lr;
	s5 =	simm.s32 $0xFFFFFFFF;
	p2 =	slt.u32 s8, $0xFFFFF086  }
0x1c: {  	p1 =	slt.u32 s9, $0xF7A;
	s5 =	simm.s32 @!p2 $0x0  }
0x1d: {  	s5 =	simm.s32 @p1 $0x1;
	p0 =	seq.s32 s7, s2  }
0x1e: {  	s7 =	smul.u32 @!p0 $0xF7A, s2;
	p2 =	seq.s32 @!p0 s5, $0x0  }
0x1f: {  	s9 =	smul.u32 $0xF7A, s1;
	s8 =	simm.s32 @!p0 $0x1BF5;
	p2 =	por !p2, p0  }
0x20: {  	[sflag:s8] =	ssyncset.s32 @!p0 $0xFFFFF086;
	s6 =	sadd.s32 @!p0 s3, s7;
	s7 =	simm.s32 @!p0 $0x108  }
0x21: {  	s3 =	sadd.s32 s3, s9;
	s6 =	sadd.s32 @!p0 $0x88, s6;
	s7 =	simm.s32 @p2 $0x1082  }
0x22: {  	[simem:s7], [sflag:s8] =	dma.local @!p0 [hbm:s6], $0xF7A  }
0x23: {  	s9 =	sor.u32 $0xD0000000, s2;
	s6 =	simm.s32 $0x108;
	_ =	swait.ge @!p0 [sflag:s8], $0x0  }
0x24: {  	s3 =	sadd.s32 $0x88, s3;
	s6 =	simm.s32 @!p1 $0x1082;
	[sflag:s4] =	ssyncset.s32 $0xFFFFF086  }
0x25: {  	[simem:s6], [sflag:s4] =	dma.local [hbm:s3], $0xF7A  }
0x26: {  	[smem:$0x3F9F] =	sst s1;
	(tag) =	ssettag s2;
	_ =	strace s9  }
0x27: {  	s1 =	sld [smem:$0x3FAF]  }
0x28: {  	s2 =	sld [smem:$0x3FB0]  }
0x29: {  	s4 =	sld [smem:$0x3FB2]  }
0x2a: {  	p0 =	seq.s32 s5, $0x0;
	s5 =	sld [smem:$0x3FB3]  }
0x2b: {  	s6 =	sld [smem:$0x3FB4]  }
0x2c: {  	s7 =	sld [smem:$0x3FB5]  }
0x2d: {  	s3 =	simm.s32 $0x108;
	s8 =	sld [smem:$0x3FB6]  }
0x2e: {  	s3 =	simm.s32 @!p0 $0x1082;
	s9 =	sld [smem:$0x3FB7]  }
0x2f: {  	lr =	sadd.s32 s0, s3;
	s0 =	sld [smem:$0x3FAE]  }
0x30: {  	s3 =	sld [smem:$0x3FB1]  }
0x31: {  	[smem:$0x3FBA] =	sst s10  }
0x32: {  	s10 =	sld [smem:$0x3FB8];
	_ =	sdelay $0x3  }
0x33: {  	p0 =	seq.s32 s10, $0x1;
	s10 =	sld [smem:$0x3FBA];
	_ =	sdelay $0x3  }
0x34: {  	[smem:$0x3FBA] =	sst s10  }
0x35: {  	s10 =	sld [smem:$0x3FB9];
	_ =	sdelay $0x3  }
0x36: {  	p1 =	seq.s32 s10, $0x1;
	s10 =	sld [smem:$0x3FBA];
	_ =	sdelay $0x3  }
0x37: {  	[smem:$0x3FBA] =	sst s10  }
0x38: {  	s10 =	sld [smem:$0x3FBB]  }
0x39: {  	_ = 	snop;
	(pc) =	sbr.ind lr, $3  }
0x3a: {  	_ = 	snop  }
0x3b: {  	_ = 	snop  }
0x3c: {  	p2 =	seq.s32 s10, $0x1;
	s10 =	sld [smem:$0x3FBA]  }
0x3d: {  	_ =	shalt  }
0x3e: {  	_ =	shalt  }
0x3f: {  	_ =	shalt  }
0x40: {  	_ =	shalt  }
0x41: {  	_ =	shalt  }
0x42: {  	_ =	shalt  }
0x43: {  	_ =	shalt  }
0x44: {  	_ =	shalt  }
0x45: {  	_ =	shalt  }
0x46: {  	_ =	shalt  }
0x47: {  	_ =	shalt  }
0x48: {  	_ =	shalt  }
0x49: {  	_ =	shalt  }
0x4a: {  	_ =	shalt  }
0x4b: {  	_ =	shalt  }
0x4c: {  	_ =	shalt  }
0x4d: {  	_ =	shalt  }
0x4e: {  	_ =	shalt  }
0x4f: {  	_ =	shalt  }
0x50: {  	_ =	shalt  }
0x51: {  	_ =	shalt  }
0x52: {  	_ =	shalt  }
0x53: {  	_ =	shalt  }
0x54: {  	_ =	shalt  }
0x55: {  	_ =	shalt  }
0x56: {  	_ =	shalt  }
0x57: {  	_ =	shalt  }
0x58: {  	_ =	shalt  }
0x59: {  	_ =	shalt  }
0x5a: {  	_ =	shalt  }
0x5b: {  	_ =	shalt  }
0x5c: {  	_ =	shalt  }
0x5d: {  	_ =	shalt  }
0x5e: {  	_ =	shalt  }
0x5f: {  	_ =	shalt  }
0x60: {  	_ =	shalt  }
0x61: {  	_ =	shalt  }
0x62: {  	_ =	shalt  }
0x63: {  	_ =	shalt  }
0x64: {  	_ =	shalt  }
0x65: {  	_ =	shalt  }
0x66: {  	_ =	shalt  }
0x67: {  	_ =	shalt  }
0x68: {  	_ =	shalt  }
0x69: {  	_ =	shalt  }
0x6a: {  	_ =	shalt  }
0x6b: {  	_ =	shalt  }
0x6c: {  	_ =	shalt  }
0x6d: {  	_ =	shalt  }
0x6e: {  	_ =	shalt  }
0x6f: {  	_ =	shalt  }
0x70: {  	_ =	shalt  }
0x71: {  	_ =	shalt  }
0x72: {  	_ =	shalt  }
0x73: {  	_ =	shalt  }
0x74: {  	_ =	shalt  }
0x75: {  	_ =	shalt  }
0x76: {  	_ =	shalt  }
0x77: {  	_ =	shalt  }
0x78: {  	_ =	shalt  }
0x79: {  	_ =	shalt  }
0x7a: {  	_ =	shalt  }
0x7b: {  	_ =	shalt  }
0x7c: {  	_ =	shalt  }
0x7d: {  	_ =	shalt  }
0x7e: {  	_ =	shalt  }
0x7f: {  	_ =	shalt  }
0x80: {  	_ =	shalt  }
0x81: {  	_ =	shalt  }
0x82: {  	_ =	shalt  }
0x83: {  	_ =	shalt  }
0x84: {  	_ =	shalt  }
0x85: {  	_ =	shalt  }
0x86: {  	_ =	shalt  }
0x87: {  	_ =	shalt  }
.Lfunc_end0:
.L_simem_size_0:
called_computation_lowered:
.L_overlay_start_0:
0x88: {  	s2 =	sld [smem:$0x3FD9]  }
0x89: {  	s3 =	sld [smem:$0x3FFE];
	_ =	sdelay $0x1  }
0x8a: {  	s1 =	srdreg.scid  }
0x8b: {  	s0 =	sand.u32 $0x1, s1  }
0x8c: {  	s17 =	sshll.u32 s0, $0xA;
	s2 =	sadd.s32 s3, s2  }
0x8d: {  	s2 =	sadd.s32 s2, s17  }
0x8e: {  	[smem:$0x3FC6] =	sst s2  }
0x8f: {  	_ = 	snop  }
0x90: {  	s2 =	sld [smem:$0x3FD0];
	(tm) =	ssettm $0x1  }
0x91: {  	s18 =	sld [smem:$0x3FFB];
	_ =	sdelay $0x3  }
0x92: {  	_ =	strace s18  }
0x93: {  	s3 =	sld [smem:$0x3FFC];
	_ =	sdelay $0x3  }
0x94: {  	_ =	strace s3  }
0x95: {  	s3 =	sld [smem:$0x3FFD];
	_ =	sdelay $0x3  }
0x96: {  	_ =	strace s3  }
0x97: {  	_ =	strace $0x8FFFFFFF  }
0x98: {  	s19 =	sld [smem:$0x3FDB];
	_ =	sdelay $0x1  }
0x99: {  	s4 =	simm.s32 $_scs_section_size  }
0x9a: {  	s5 =	simm.s32 $_size__tile_overlayer_lowered;
	s6 =	simm.s32 $_tile_overlayer_lowered  }
0x9b: {  	s22 =	simm.s32 $0x1BFF;
	s21 =	sshll.u32 s6, $0x1;
	s3 =	sadd.s32 s4, s19  }
0x9c: {  	s7 =	simm.s32 $0x0;
	s20 =	sshll.u32 s5, $0x1;
	s5 =	sadd.s32 s21, s3  }
0x9d: {  	[timem:s7], [sflag:s22] =	dma.local [hbm:s5], s20  }
0x9e: {  	_ =	swait.ge [sflag:s22], s20  }
0x9f: {  	s4 =	ssub.s32 $0x0, s20;
	[sflag:s22] =	ssyncset.done $0x0  }
0xa0: {  	[sflag:s22] =	ssyncadd.s32 s4;
	_ =	sdelay $0x1  }
0xa1: {  	s23 =	simm.s32 $0x1B8B  }
0xa2: {  	_ =	swait.ge [sflag:s23], $0x1  }
0xa3: {  	[sflag:s23] =	ssyncset.done $0x0  }
0xa4: {  	s25 =	simm.s32 $0x1B8E;
	s24 =	sld [smem:$0x3FFE];
	[sflag:s23] =	ssyncadd.s32 $0xFFFFFFFF  }
0xa5: {  	s26 =	simm.s32 $execute0_lowered;
	[smem:$0x3FD2] =	sst s25  }
0xa6: {  	s5 =	sshll.u32 s26, $0x1;
	_ =	strace $0x80000046;
	[dreg:$0x1] =	wrdreg $0xFFFFFFFF  }
0xa7: {  	s28 =	simm.s32 $_size_execute0_lowered;
	s3 =	sadd.s32 s3, s5;
	[dreg:$0x0] =	wrdreg $0x0  }
0xa8: {  	s5 =	sshll.u32 s28, $0x1;
	[dreg:$0x2] =	wrdreg s3  }
0xa9: {  	[dreg:$0x3] =	wrdreg s5  }
0xaa: {  	[dreg:$0x4] =	wrdreg $0xC0  }
0xab: {  	_ =	task [dreg:s7], $0x5FFFF  }
0xac: {  	[dreg:$0x1] =	wrdreg $0xFFFFFFFF  }
0xad: {  	[dreg:$0x0] =	wrdreg $0x60  }
0xae: {  	[dreg:$0x2] =	wrdreg s24  }
0xaf: {  	[dreg:$0x3] =	wrdreg s2  }
0xb0: {  	[dreg:$0x4] =	wrdreg $0x9  }
0xb1: {  	_ =	task.clear_ibuf [dreg:s7], $0x5FFFF;
	_ =	strace $0x90000046  }
0xb2: {  	s29 =	simm.s32 $0x9;
	_ =	strace $0x80000048  }
0xb3: {  	_ =	swait.ge [sflag:s29], $0x1  }
0xb4: {  	[sflag:s29] =	ssyncadd.s32 $0xFFFFFFFF  }
0xb5: {  	_ =	strace $0x90000048  }
0xb6: {  	_ =	sfence  }
0xb7: {  	s30 =	sld [smem:$0x0];
	_ =	sdelay $0x2  }
0xb8: {  	s31 =	sshll.u32 s1, $0xD;
	s1 =	sshrl.u32 s1, $0x2  }
0xb9: {  	s3 =	sand.u32 $0x4000, s31;
	s1 =	sadd.s32 s1, s30  }
0xba: {  	s0 =	sor.u32 s3, s0;
	s1 =	sshll.u32 s1, $0x11  }
0xbb: {  	s0 =	sor.u32 s1, s0  }
0xbc: {  	s0 =	sadd.s32 $0x8F2B, s0  }
0xbd: {  	[sflag:s0] =	ssyncadd.remote.s32 $0x1  }
0xbe: {  	_ =	sfence.sel $0xFFFF  }
0xbf: {  	[dreg:$0x0] =	wrdreg $0xFFFFFFFF;
	(pc) =	sbr.abs _section_cstart, $3  }
0xc0: {  	[dreg:$0x1] =	wrdreg $0xFFFFFFFF  }
0xc1: {  	_ =	task.clear_ibuf [dreg:s7], $0x2FFFF;
	_ =	strace $0x9FFFFFFF  }
0xc2: {  	(tm) =	ssettm $0x7FFFFFFF  }
0xc3: {  	_ =	shalt  }
tec
execute0_lowered:
.L_overlay_start_1:
0x0: {  	(tag) =	ssettag $0x1  }
0x1: {  	s1 =	srdreg.scid  }
0x2: {  	s0 =	stileid.u32;
	s6 =	sand.u32 $0x1, s1  }
0x3: {  	s5 =	rddreg [dreg:$0x0];
	s30 =	sshll.u32 s0, $0xA;
	s2 =	sshll.u32 s6, $0x9  }
0x4: {  	s8 =	rddreg [dreg:$0x1];
	s9 =	sor.u32 s2, s30  }
0x5: {  	s1 =	rddreg [dreg:$0x2];
	s2 =	simm.s32 $0x0;
	s3 =	sshrl.u32 s9, $0x3  }
0x6: {  	s10 =	ssub.s32 $0x2, s6;
	[smem:$0x7FF] =	sst s2;
	s3 =	sadd.s32 s3, s5  }
0x7: {  	_ =	strace $0x80000047;
	s4 =	sadd.s32 $0x45400, s3;
	s3 =	simm.s32 $0x2  }
0x8: {  	[tilespmem:s2], [sflag:$0x2] =	stream.linear.gather [hbm4b:s4+s2], $0x200, $0x38;
	[tilespmem:$0x10200] =	vst v63  }
0x9: {  	s7 =	simm.s32 $0x1;
	s11 =	sshrl.u32 s10, $0x1;
	_ =	swait.ge [sflag:s3], $0x200  }
0xa: {  	s6 =	simm.s32 $0x200;
	s10 =	ssub.s32 s10, s11;
	[sflag:s3] =	ssyncset.done $0x0  }
0xb: {  	s5 =	sadd.s32 $0x1400, s5;
	s31 =	smax.u32 s10, $0x1;
	[sflag:s3] =	ssyncadd.s32 $0xFFFFFE00  }
0xc: {  	[tilespmem:s6], [sflag:$0x1] =	stream.indirect.gather [hbm4b:s5+s6], $0x80, s2, s6, $0xb8;
	[tilespmem:$0x10200] =	vst v63  }
0xd: {  	p0 =	sne.s32 s31, $0x1;
	_ =	swait.ge [sflag:s7], $0x10000  }
.Ltmp0:
0xe: {  	s9 =	sshll.u32 s9, $0x4;
	[sflag:s7] =	ssyncset.done $0x0;
	(pc) =	sbr.rel @!p0 .LBB2_2-.Ltmp0, $4  }
0xf: {  	s8 =	sadd.s32 s8, s9;
	[sflag:s7] =	ssyncadd.s32 $0xFFFF0000  }
0x10: {  	[hbm4b:s8+s2] =	stream.linear.scatter [tilespmem:s6], [sflag:$0x2], $0x10000, $0x38;
	[tilespmem:$0x10200] =	vst v63  }
0x11: {  	_ =	swait.ge [sflag:s3], $0x10000  }
0x12: {  	s9 =	sadd.s32 $0xFFFFFFFF, s31;
	[sflag:s3] =	ssyncset.done $0x0  }
.LBB2_1:
0x13: {  	p0 =	sne.s32 s9, $0x1;
	s9 =	sadd.s32 $0xFFFFFFFF, s9;
	[sflag:s3] =	ssyncadd.s32 $0xFFFF0000  }
0x14: {  	[tilespmem:s2], [sflag:$0x2] =	stream.linear.gather [hbm4b:s4+s2], $0x200, $0x38;
	[tilespmem:$0x10200] =	vst v63  }
0x15: {  	_ =	swait.ge [sflag:s3], $0x200  }
0x16: {  	[sflag:s3] =	ssyncset.done $0x0  }
0x17: {  	[sflag:s3] =	ssyncadd.s32 $0xFFFFFE00  }
0x18: {  	[tilespmem:s6], [sflag:$0x1] =	stream.indirect.gather [hbm4b:s5+s6], $0x80, s2, s6, $0xb8;
	[tilespmem:$0x10200] =	vst v63  }
0x19: {  	_ =	swait.ge [sflag:s7], $0x10000  }
.Ltmp1:
0x1a: {  	[sflag:s7] =	ssyncset.done $0x0;
	(pc) =	sbr.rel @p0 .LBB2_1-.Ltmp1, $4  }
0x1b: {  	[sflag:s7] =	ssyncadd.s32 $0xFFFF0000  }
0x1c: {  	[hbm4b:s8+s2] =	stream.linear.scatter [tilespmem:s6], [sflag:$0x2], $0x10000, $0x38;
	[tilespmem:$0x10200] =	vst v63  }
0x1d: {  	_ =	swait.ge [sflag:s3], $0x10000  }
0x1e: {  	[sflag:s3] =	ssyncset.done $0x0  }
.LBB2_2:
0x1f: {  	[sflag:s3] =	ssyncadd.s32 $0xFFFF0000  }
0x20: {  	_ =	sfence.sel $0x180000  }
0x21: {  	[bflag:$0x0] =	sbarrier.arrive $0xFFFF  }
0x22: {  	p0 =	sne.s32 s0, $0x0;
	_ =	strace $0x90000047  }
0x23: {  	s0 =	sadd.s32 @!p0 $0x100000, s1;
	[bflag:$0x2] =	sbarrier.arrive $0xFFFF  }
0x24: {  	[sflag:s0] =	ssyncadd.tile.s32 @!p0 $0x1;
	_ =	shalt  }
.Lfunc_end2:
_tile_overlayer_lowered:
.L_overlay_start_2:
0x25: {  	(tag) =	ssettag $0x2  }
0x26: {  	s0 =	rddreg [dreg:$0x0];
	s2 =	stileid.u32  }
0x27: {  	s1 =	rddreg [dreg:$0x1];
	p0 =	sne.s32 s2, $0x0  }
0x28: {  	s3 =	rddreg [dreg:$0x2];
	[bflag:$0x3] =	sbarrier.arrive $0xFFFF;
	s2 =	simm.s32 @!p0 $0x1C02  }
0x29: {  	[timem:s3], [sflag:s2] =	dma.local @!p0 [hbm:s0], s1  }
0x2a: {  	s0 =	simm.s32 @!p0 $0x2  }
0x2b: {  	_ =	swait.ge @!p0 [sflag:s0], s1  }
0x2c: {  	s1 =	ssub.s32 @!p0 $0x0, s1;
	[sflag:s0] =	ssyncset.done @!p0 $0x0  }
0x2d: {  	[sflag:s0] =	ssyncadd.s32 @!p0 s1  }
0x2e: {  	[bflag:$0x3] =	sbarrier.arrive $0xFFFF  }
0x2f: {  	_ =	shalt  }

</sc_bundles>
